<compile_context>
chip_gen: v7x
topology: tpu7x:2x2x1
jax: 0.10.2.dev20260603
libtpu: 0.0.44.dev20260713+nightly
codegen_flags: <defaults>
</compile_context>

<pallas_src>
import jax
import jax.numpy as jnp
from jax import lax
from jax.experimental import pallas as pl
from jax.experimental.pallas import tpu as pltpu
from jax.experimental.pallas import tpu_sc as plsc

_NCAMS = 100
_NIDENT = 5000
_B = 32
_ROWS = _B * 3
_LANES = 16
_CHUNKS = _ROWS // _LANES


def _sc_params_body(cam_hbm, id_hbm, wcamf, bcamf, widentf, bidentf, wf, bf,
                    wv_hbm, bv_hbm,
                    cam_v, id_v, icam_v, iid_v, iwb_v,
                    g_wcam, g_wident, g_w, g_bcam, g_bident, g_b,
                    wv_v, bv_v, sem):
    is_lead = (lax.axis_index("c") == 0) & (lax.axis_index("s") == 0)

    @pl.when(is_lead)
    def _():
        pltpu.sync_copy(cam_hbm, cam_v)
        pltpu.sync_copy(id_hbm, id_v)
        for k in range(_CHUNKS):
            c = k // 2
            boff = _LANES * (k % 2)
            sl = pl.ds(_LANES * k, _LANES)
            camb = cam_v[pl.ds(boff, _LANES)]
            idb = id_v[pl.ds(boff, _LANES)]
            icam_v[sl] = camb * 3 + c
            iid_v[sl] = idb * 3 + c
            iwb_v[sl] = (camb * _NIDENT + idb) * 3 + c
        cps = [
            pltpu.async_copy(wcamf.at[icam_v], g_wcam, sem),
            pltpu.async_copy(widentf.at[iid_v], g_wident, sem),
            pltpu.async_copy(wf.at[iwb_v], g_w, sem),
            pltpu.async_copy(bcamf.at[icam_v], g_bcam, sem),
            pltpu.async_copy(bidentf.at[iid_v], g_bident, sem),
            pltpu.async_copy(bf.at[iwb_v], g_b, sem),
        ]
        for cp in cps:
            cp.wait()
        for k in range(_CHUNKS):
            sl = pl.ds(_LANES * k, _LANES)
            wv_v[sl] = g_wcam[sl] + g_wident[sl] + 10.0 * g_w[sl]
            bv_v[sl] = g_bcam[sl] + g_bident[sl] + 10.0 * g_b[sl]
        pltpu.sync_copy(wv_v, wv_hbm)
        pltpu.sync_copy(bv_v, bv_hbm)


_sc_params = pl.kernel(
    _sc_params_body,
    out_type=[jax.ShapeDtypeStruct((_ROWS,), jnp.float32),
              jax.ShapeDtypeStruct((_ROWS,), jnp.float32)],
    mesh=plsc.VectorSubcoreMesh(core_axis_name="c", subcore_axis_name="s"),
    scratch_types=[
        pltpu.VMEM((_B,), jnp.int32),
        pltpu.VMEM((_B,), jnp.int32),
        pltpu.VMEM((_ROWS,), jnp.int32),
        pltpu.VMEM((_ROWS,), jnp.int32),
        pltpu.VMEM((_ROWS,), jnp.int32),
        pltpu.VMEM((_ROWS,), jnp.float32),
        pltpu.VMEM((_ROWS,), jnp.float32),
        pltpu.VMEM((_ROWS,), jnp.float32),
        pltpu.VMEM((_ROWS,), jnp.float32),
        pltpu.VMEM((_ROWS,), jnp.float32),
        pltpu.VMEM((_ROWS,), jnp.float32),
        pltpu.VMEM((_ROWS,), jnp.float32),
        pltpu.VMEM((_ROWS,), jnp.float32),
        pltpu.SemaphoreType.DMA,
    ],
)

_G = 4


def _scale_body(wv_ref, bv_ref, img_ref, out_ref):
    i = pl.program_id(0)
    for j in range(_G):
        r = i * _G + j
        b = r // 3
        c = r - 3 * b
        q = c * _B + b
        out_ref[j] = img_ref[j] * wv_ref[q] + bv_ref[q]


def _scale(wv, bv, img, h, ww):
    return pl.pallas_call(
        _scale_body,
        grid=(_ROWS // _G,),
        in_specs=[
            pl.BlockSpec(memory_space=pltpu.SMEM),
            pl.BlockSpec(memory_space=pltpu.SMEM),
            pl.BlockSpec((_G, h, ww), lambda i: (i, 0, 0)),
        ],
        out_specs=pl.BlockSpec((_G, h, ww), lambda i: (i, 0, 0)),
        out_shape=jax.ShapeDtypeStruct((_ROWS, h, ww), jnp.float32),
    )(wv, bv, img)


def kernel(image, camindex, idindex, wcam, bcam, wident, bident, w, b):
    bsz, ch, h, ww = image.shape
    cam = camindex.astype(jnp.int32)
    idn = idindex.astype(jnp.int32)
    wv, bv = _sc_params(cam, idn,
                        wcam.reshape(-1), bcam.reshape(-1),
                        wident.reshape(-1), bident.reshape(-1),
                        w.reshape(-1), b.reshape(-1))
    out = _scale(wv, bv, image.reshape(bsz * ch, h, ww), h, ww)
    return out.reshape(bsz, ch, h, ww)

# --- scband reference (transcript-rebuilt; emitter-appended) ---
"""Pipeline reference for scband-colorcal3-scaled-6536940224721 (READ-ONLY COPY).

The authoritative reference and input builder live on the scoring server;
editing this copy changes nothing except your own understanding.
"""

import jax, jax.numpy as jnp
import numpy as np

NCAMS = 100
NIDENT = 5000
B, H, W = 32, 512, 512


def setup_inputs(seed: int = 0) -> dict:
    key = jax.random.key(seed)
    ks = jax.random.split(key, 9)
    image = jax.random.normal(ks[0], (B, 3, H, W), dtype=jnp.float32)
    camindex = jax.random.randint(ks[1], (B,), 0, NCAMS, dtype=jnp.int64 if jax.config.jax_enable_x64 else jnp.int32)
    idindex = jax.random.randint(ks[2], (B,), 0, NIDENT, dtype=jnp.int64 if jax.config.jax_enable_x64 else jnp.int32)
    # learned parameters, faithful to torch init (ones / zeros) plus tiny noise so
    # the computation is numerically non-degenerate
    wcam = jnp.ones((NCAMS, 3), dtype=jnp.float32) + 0.01 * jax.random.normal(ks[3], (NCAMS, 3), dtype=jnp.float32)
    bcam = 0.01 * jax.random.normal(ks[4], (NCAMS, 3), dtype=jnp.float32)
    wident = 0.01 * jax.random.normal(ks[5], (NIDENT, 3), dtype=jnp.float32)
    bident = 0.01 * jax.random.normal(ks[6], (NIDENT, 3), dtype=jnp.float32)
    w = 0.01 * jax.random.normal(ks[7], (NCAMS, NIDENT, 3), dtype=jnp.float32)
    b = 0.01 * jax.random.normal(ks[8], (NCAMS, NIDENT, 3), dtype=jnp.float32)
    return {
        "image": image,
        "camindex": camindex,
        "idindex": idindex,
        "wcam": wcam,
        "bcam": bcam,
        "wident": wident,
        "bident": bident,
        "w": w,
        "b": b,
    }


def reference(image, camindex, idindex, wcam, bcam, wident, bident, w, b):
    # w = self.wcam[camindex] + self.wident[idindex] + self.w[camindex, idindex] * 10
    wv = jnp.take(wcam, camindex, axis=0) + jnp.take(wident, idindex, axis=0) + w[camindex, idindex] * 10.0
    bv = jnp.take(bcam, camindex, axis=0) + jnp.take(bident, idindex, axis=0) + b[camindex, idindex] * 10.0
    return wv[:, :, None, None] * image + bv[:, :, None, None]

if __name__ == "__main__":
    import jax
    _d = setup_inputs()
    print(jax.jit(kernel)(*tuple(_d.values())))

</pallas_src>

<mosaic_0001>
#map = affine_map<(d0, d1) -> (0)>
module attributes {stable_mosaic.version = 14 : i64} {
  func.func @_sc_params_body(%arg0: i32, %arg1: i32, %arg2: memref<32xi32, #tpu.memory_space<hbm>>, %arg3: memref<32xi32, #tpu.memory_space<hbm>>, %arg4: memref<300xf32, #tpu.memory_space<hbm>>, %arg5: memref<300xf32, #tpu.memory_space<hbm>>, %arg6: memref<15000xf32, #tpu.memory_space<hbm>>, %arg7: memref<15000xf32, #tpu.memory_space<hbm>>, %arg8: memref<1500000xf32, #tpu.memory_space<hbm>>, %arg9: memref<1500000xf32, #tpu.memory_space<hbm>>, %arg10: memref<96xf32, #tpu.memory_space<hbm>>, %arg11: memref<96xf32, #tpu.memory_space<hbm>>, %arg12: memref<32xi32, #tpu.memory_space<vmem>>, %arg13: memref<32xi32, #tpu.memory_space<vmem>>, %arg14: memref<96xi32, #tpu.memory_space<vmem>>, %arg15: memref<96xi32, #tpu.memory_space<vmem>>, %arg16: memref<96xi32, #tpu.memory_space<vmem>>, %arg17: memref<96xf32, #tpu.memory_space<vmem>>, %arg18: memref<96xf32, #tpu.memory_space<vmem>>, %arg19: memref<96xf32, #tpu.memory_space<vmem>>, %arg20: memref<96xf32, #tpu.memory_space<vmem>>, %arg21: memref<96xf32, #tpu.memory_space<vmem>>, %arg22: memref<96xf32, #tpu.memory_space<vmem>>, %arg23: memref<96xf32, #tpu.memory_space<vmem>>, %arg24: memref<96xf32, #tpu.memory_space<vmem>>, %arg25: memref<!tpu.dma_semaphore, #tpu.memory_space<semaphore_mem>>) attributes {dimension_semantics = [#tpu.dimension_semantics<core_parallel>, #tpu.dimension_semantics<subcore_parallel>], iteration_bounds = array<i64: 2, 16>, scalar_prefetch = 0 : i64, scratch_operands = 14 : i64, tpu.core_type = #tpu.core_type<sc_vector_subcore>, window_params = [{transform_indices = #map}, {transform_indices = #map}, {transform_indices = #map}, {transform_indices = #map}, {transform_indices = #map}, {transform_indices = #map}, {transform_indices = #map}, {transform_indices = #map}, {transform_indices = #map}, {transform_indices = #map}]} {
    %eq3A = arith.constant 0 : i32
    %eq3A_0 = arith.cmpi eq, %arg0, %eq3A : i32
    %eq3A_1 = arith.constant 0 : i32
    %eq3A_2 = arith.cmpi eq, %arg1, %eq3A_1 : i32
    %and3A = arith.andi %eq3A_0, %eq3A_2 : i1
    %convert_element_type3A = arith.extui %and3A : i1 to i32
    %cond3A = arith.constant 0 : i32
    %cond3A_3 = arith.cmpi ne, %convert_element_type3A, %cond3A : i32
    scf.if %cond3A_3 {
      "tpu.region"() ({
        %run_scoped3A = tpu.sem_alloc : memref<!tpu.dma_semaphore, #tpu.memory_space<semaphore_mem>>
        tpu.enqueue_dma source(%arg2 : memref<32xi32, #tpu.memory_space<hbm>>) target(%arg12 : memref<32xi32, #tpu.memory_space<vmem>>) target_semaphore(%run_scoped3A : memref<!tpu.dma_semaphore, #tpu.memory_space<semaphore_mem>>)
        tpu.wait_dma2 semaphore(%run_scoped3A : memref<!tpu.dma_semaphore, #tpu.memory_space<semaphore_mem>>) src(%arg2 : memref<32xi32, #tpu.memory_space<hbm>>) dst(%arg12 : memref<32xi32, #tpu.memory_space<vmem>>)
        tpu.yield
      }) : () -> ()
      "tpu.region"() ({
        %run_scoped3A = tpu.sem_alloc : memref<!tpu.dma_semaphore, #tpu.memory_space<semaphore_mem>>
        tpu.enqueue_dma source(%arg3 : memref<32xi32, #tpu.memory_space<hbm>>) target(%arg13 : memref<32xi32, #tpu.memory_space<vmem>>) target_semaphore(%run_scoped3A : memref<!tpu.dma_semaphore, #tpu.memory_space<semaphore_mem>>)
        tpu.wait_dma2 semaphore(%run_scoped3A : memref<!tpu.dma_semaphore, #tpu.memory_space<semaphore_mem>>) src(%arg3 : memref<32xi32, #tpu.memory_space<hbm>>) dst(%arg13 : memref<32xi32, #tpu.memory_space<vmem>>)
        tpu.yield
      }) : () -> ()
      %get3A = arith.constant 0 : index
      %get3A_4 = tpu.vector_load %arg12[%get3A] {strides = array<i32>} : memref<32xi32, #tpu.memory_space<vmem>>, vector<16xi32>,
      %get3A_5 = vector.shape_cast %get3A_4 : vector<16xi32> to vector<16xi32>
      %get3A_6 = arith.constant 0 : index
      %get3A_7 = tpu.vector_load %arg13[%get3A_6] {strides = array<i32>} : memref<32xi32, #tpu.memory_space<vmem>>, vector<16xi32>,
      %get3A_8 = vector.shape_cast %get3A_7 : vector<16xi32> to vector<16xi32>
      %mul3A = arith.constant 3 : i32
      %mul3A_9 = vector.broadcast %mul3A : i32 to vector<16xi32>
      %mul3A_10 = arith.muli %get3A_5, %mul3A_9 : vector<16xi32>
      %add3A = arith.constant 0 : i32
      %add3A_11 = vector.broadcast %add3A : i32 to vector<16xi32>
      %add3A_12 = arith.addi %mul3A_10, %add3A_11 : vector<16xi32>
      %swap3A = arith.constant 0 : index
      %swap3A_13 = tpu.vector_load %arg14[%swap3A] {strides = array<i32>} : memref<96xi32, #tpu.memory_space<vmem>>, vector<16xi32>,
      %swap3A_14 = vector.shape_cast %swap3A_13 : vector<16xi32> to vector<16xi32>
      %swap3A_15 = vector.shape_cast %add3A_12 : vector<16xi32> to vector<16xi32>
      tpu.vector_store %arg14[%swap3A], %swap3A_15 {strides = array<i32>} : memref<96xi32, #tpu.memory_space<vmem>>, vector<16xi32>,
      %mul3A_16 = arith.constant 3 : i32
      %mul3A_17 = vector.broadcast %mul3A_16 : i32 to vector<16xi32>
      %mul3A_18 = arith.muli %get3A_8, %mul3A_17 : vector<16xi32>
      %add3A_19 = arith.constant 0 : i32
      %add3A_20 = vector.broadcast %add3A_19 : i32 to vector<16xi32>
      %add3A_21 = arith.addi %mul3A_18, %add3A_20 : vector<16xi32>
      %swap3A_22 = arith.constant 0 : index
      %swap3A_23 = tpu.vector_load %arg15[%swap3A_22] {strides = array<i32>} : memref<96xi32, #tpu.memory_space<vmem>>, vector<16xi32>,
      %swap3A_24 = vector.shape_cast %swap3A_23 : vector<16xi32> to vector<16xi32>
      %swap3A_25 = vector.shape_cast %add3A_21 : vector<16xi32> to vector<16xi32>
      tpu.vector_store %arg15[%swap3A_22], %swap3A_25 {strides = array<i32>} : memref<96xi32, #tpu.memory_space<vmem>>, vector<16xi32>,
      %mul3A_26 = arith.constant 5000 : i32
      %mul3A_27 = vector.broadcast %mul3A_26 : i32 to vector<16xi32>
      %mul3A_28 = arith.muli %get3A_5, %mul3A_27 : vector<16xi32>
      %add3A_29 = arith.addi %mul3A_28, %get3A_8 : vector<16xi32>
      %mul3A_30 = arith.constant 3 : i32
      %mul3A_31 = vector.broadcast %mul3A_30 : i32 to vector<16xi32>
      %mul3A_32 = arith.muli %add3A_29, %mul3A_31 : vector<16xi32>
      %add3A_33 = arith.constant 0 : i32
      %add3A_34 = vector.broadcast %add3A_33 : i32 to vector<16xi32>
      %add3A_35 = arith.addi %mul3A_32, %add3A_34 : vector<16xi32>
      %swap3A_36 = arith.constant 0 : index
      %swap3A_37 = tpu.vector_load %arg16[%swap3A_36] {strides = array<i32>} : memref<96xi32, #tpu.memory_space<vmem>>, vector<16xi32>,
      %swap3A_38 = vector.shape_cast %swap3A_37 : vector<16xi32> to vector<16xi32>
      %swap3A_39 = vector.shape_cast %add3A_35 : vector<16xi32> to vector<16xi32>
      tpu.vector_store %arg16[%swap3A_36], %swap3A_39 {strides = array<i32>} : memref<96xi32, #tpu.memory_space<vmem>>, vector<16xi32>,
      %get3A_40 = arith.constant 16 : index
      %get3A_41 = tpu.vector_load %arg12[%get3A_40] {strides = array<i32>} : memref<32xi32, #tpu.memory_space<vmem>>, vector<16xi32>,
      %get3A_42 = vector.shape_cast %get3A_41 : vector<16xi32> to vector<16xi32>
      %get3A_43 = arith.constant 16 : index
      %get3A_44 = tpu.vector_load %arg13[%get3A_43] {strides = array<i32>} : memref<32xi32, #tpu.memory_space<vmem>>, vector<16xi32>,
      %get3A_45 = vector.shape_cast %get3A_44 : vector<16xi32> to vector<16xi32>
      %mul3A_46 = arith.constant 3 : i32
      %mul3A_47 = vector.broadcast %mul3A_46 : i32 to vector<16xi32>
      %mul3A_48 = arith.muli %get3A_42, %mul3A_47 : vector<16xi32>
      %add3A_49 = arith.constant 0 : i32
      %add3A_50 = vector.broadcast %add3A_49 : i32 to vector<16xi32>
      %add3A_51 = arith.addi %mul3A_48, %add3A_50 : vector<16xi32>
      %swap3A_52 = arith.constant 16 : index
      %swap3A_53 = tpu.vector_load %arg14[%swap3A_52] {strides = array<i32>} : memref<96xi32, #tpu.memory_space<vmem>>, vector<16xi32>,
      %swap3A_54 = vector.shape_cast %swap3A_53 : vector<16xi32> to vector<16xi32>
      %swap3A_55 = vector.shape_cast %add3A_51 : vector<16xi32> to vector<16xi32>
      tpu.vector_store %arg14[%swap3A_52], %swap3A_55 {strides = array<i32>} : memref<96xi32, #tpu.memory_space<vmem>>, vector<16xi32>,
      %mul3A_56 = arith.constant 3 : i32
      %mul3A_57 = vector.broadcast %mul3A_56 : i32 to vector<16xi32>
      %mul3A_58 = arith.muli %get3A_45, %mul3A_57 : vector<16xi32>
      %add3A_59 = arith.constant 0 : i32
      %add3A_60 = vector.broadcast %add3A_59 : i32 to vector<16xi32>
      %add3A_61 = arith.addi %mul3A_58, %add3A_60 : vector<16xi32>
      %swap3A_62 = arith.constant 16 : index
      %swap3A_63 = tpu.vector_load %arg15[%swap3A_62] {strides = array<i32>} : memref<96xi32, #tpu.memory_space<vmem>>, vector<16xi32>,
      %swap3A_64 = vector.shape_cast %swap3A_63 : vector<16xi32> to vector<16xi32>
      %swap3A_65 = vector.shape_cast %add3A_61 : vector<16xi32> to vector<16xi32>
      tpu.vector_store %arg15[%swap3A_62], %swap3A_65 {strides = array<i32>} : memref<96xi32, #tpu.memory_space<vmem>>, vector<16xi32>,
      %mul3A_66 = arith.constant 5000 : i32
      %mul3A_67 = vector.broadcast %mul3A_66 : i32 to vector<16xi32>
      %mul3A_68 = arith.muli %get3A_42, %mul3A_67 : vector<16xi32>
      %add3A_69 = arith.addi %mul3A_68, %get3A_45 : vector<16xi32>
      %mul3A_70 = arith.constant 3 : i32
      %mul3A_71 = vector.broadcast %mul3A_70 : i32 to vector<16xi32>
      %mul3A_72 = arith.muli %add3A_69, %mul3A_71 : vector<16xi32>
      %add3A_73 = arith.constant 0 : i32
      %add3A_74 = vector.broadcast %add3A_73 : i32 to vector<16xi32>
      %add3A_75 = arith.addi %mul3A_72, %add3A_74 : vector<16xi32>
      %swap3A_76 = arith.constant 16 : index
      %swap3A_77 = tpu.vector_load %arg16[%swap3A_76] {strides = array<i32>} : memref<96xi32, #tpu.memory_space<vmem>>, vector<16xi32>,
      %swap3A_78 = vector.shape_cast %swap3A_77 : vector<16xi32> to vector<16xi32>
      %swap3A_79 = vector.shape_cast %add3A_75 : vector<16xi32> to vector<16xi32>
      tpu.vector_store %arg16[%swap3A_76], %swap3A_79 {strides = array<i32>} : memref<96xi32, #tpu.memory_space<vmem>>, vector<16xi32>,
      %get3A_80 = arith.constant 0 : index
      %get3A_81 = tpu.vector_load %arg12[%get3A_80] {strides = array<i32>} : memref<32xi32, #tpu.memory_space<vmem>>, vector<16xi32>,
      %get3A_82 = vector.shape_cast %get3A_81 : vector<16xi32> to vector<16xi32>
      %get3A_83 = arith.constant 0 : index
      %get3A_84 = tpu.vector_load %arg13[%get3A_83] {strides = array<i32>} : memref<32xi32, #tpu.memory_space<vmem>>, vector<16xi32>,
      %get3A_85 = vector.shape_cast %get3A_84 : vector<16xi32> to vector<16xi32>
      %mul3A_86 = arith.constant 3 : i32
      %mul3A_87 = vector.broadcast %mul3A_86 : i32 to vector<16xi32>
      %mul3A_88 = arith.muli %get3A_82, %mul3A_87 : vector<16xi32>
      %add3A_89 = arith.constant 1 : i32
      %add3A_90 = vector.broadcast %add3A_89 : i32 to vector<16xi32>
      %add3A_91 = arith.addi %mul3A_88, %add3A_90 : vector<16xi32>
      %swap3A_92 = arith.constant 32 : index
      %swap3A_93 = tpu.vector_load %arg14[%swap3A_92] {strides = array<i32>} : memref<96xi32, #tpu.memory_space<vmem>>, vector<16xi32>,
      %swap3A_94 = vector.shape_cast %swap3A_93 : vector<16xi32> to vector<16xi32>
      %swap3A_95 = vector.shape_cast %add3A_91 : vector<16xi32> to vector<16xi32>
      tpu.vector_store %arg14[%swap3A_92], %swap3A_95 {strides = array<i32>} : memref<96xi32, #tpu.memory_space<vmem>>, vector<16xi32>,
      %mul3A_96 = arith.constant 3 : i32
      %mul3A_97 = vector.broadcast %mul3A_96 : i32 to vector<16xi32>
      %mul3A_98 = arith.muli %get3A_85, %mul3A_97 : vector<16xi32>
      %add3A_99 = arith.constant 1 : i32
      %add3A_100 = vector.broadcast %add3A_99 : i32 to vector<16xi32>
      %add3A_101 = arith.addi %mul3A_98, %add3A_100 : vector<16xi32>
      %swap3A_102 = arith.constant 32 : index
      %swap3A_103 = tpu.vector_load %arg15[%swap3A_102] {strides = array<i32>} : memref<96xi32, #tpu.memory_space<vmem>>, vector<16xi32>,
      %swap3A_104 = vector.shape_cast %swap3A_103 : vector<16xi32> to vector<16xi32>
      %swap3A_105 = vector.shape_cast %add3A_101 : vector<16xi32> to vector<16xi32>
      tpu.vector_store %arg15[%swap3A_102], %swap3A_105 {strides = array<i32>} : memref<96xi32, #tpu.memory_space<vmem>>, vector<16xi32>,
      %mul3A_106 = arith.constant 5000 : i32
      %mul3A_107 = vector.broadcast %mul3A_106 : i32 to vector<16xi32>
      %mul3A_108 = arith.muli %get3A_82, %mul3A_107 : vector<16xi32>
      %add3A_109 = arith.addi %mul3A_108, %get3A_85 : vector<16xi32>
      %mul3A_110 = arith.constant 3 : i32
      %mul3A_111 = vector.broadcast %mul3A_110 : i32 to vector<16xi32>
      %mul3A_112 = arith.muli %add3A_109, %mul3A_111 : vector<16xi32>
      %add3A_113 = arith.constant 1 : i32
      %add3A_114 = vector.broadcast %add3A_113 : i32 to vector<16xi32>
      %add3A_115 = arith.addi %mul3A_112, %add3A_114 : vector<16xi32>
      %swap3A_116 = arith.constant 32 : index
      %swap3A_117 = tpu.vector_load %arg16[%swap3A_116] {strides = array<i32>} : memref<96xi32, #tpu.memory_space<vmem>>, vector<16xi32>,
      %swap3A_118 = vector.shape_cast %swap3A_117 : vector<16xi32> to vector<16xi32>
      %swap3A_119 = vector.shape_cast %add3A_115 : vector<16xi32> to vector<16xi32>
      tpu.vector_store %arg16[%swap3A_116], %swap3A_119 {strides = array<i32>} : memref<96xi32, #tpu.memory_space<vmem>>, vector<16xi32>,
      %get3A_120 = arith.constant 16 : index
      %get3A_121 = tpu.vector_load %arg12[%get3A_120] {strides = array<i32>} : memref<32xi32, #tpu.memory_space<vmem>>, vector<16xi32>,
      %get3A_122 = vector.shape_cast %get3A_121 : vector<16xi32> to vector<16xi32>
      %get3A_123 = arith.constant 16 : index
      %get3A_124 = tpu.vector_load %arg13[%get3A_123] {strides = array<i32>} : memref<32xi32, #tpu.memory_space<vmem>>, vector<16xi32>,
      %get3A_125 = vector.shape_cast %get3A_124 : vector<16xi32> to vector<16xi32>
      %mul3A_126 = arith.constant 3 : i32
      %mul3A_127 = vector.broadcast %mul3A_126 : i32 to vector<16xi32>
      %mul3A_128 = arith.muli %get3A_122, %mul3A_127 : vector<16xi32>
      %add3A_129 = arith.constant 1 : i32
      %add3A_130 = vector.broadcast %add3A_129 : i32 to vector<16xi32>
      %add3A_131 = arith.addi %mul3A_128, %add3A_130 : vector<16xi32>
      %swap3A_132 = arith.constant 48 : index
      %swap3A_133 = tpu.vector_load %arg14[%swap3A_132] {strides = array<i32>} : memref<96xi32, #tpu.memory_space<vmem>>, vector<16xi32>,
      %swap3A_134 = vector.shape_cast %swap3A_133 : vector<16xi32> to vector<16xi32>
      %swap3A_135 = vector.shape_cast %add3A_131 : vector<16xi32> to vector<16xi32>
      tpu.vector_store %arg14[%swap3A_132], %swap3A_135 {strides = array<i32>} : memref<96xi32, #tpu.memory_space<vmem>>, vector<16xi32>,
      %mul3A_136 = arith.constant 3 : i32
      %mul3A_137 = vector.broadcast %mul3A_136 : i32 to vector<16xi32>
      %mul3A_138 = arith.muli %get3A_125, %mul3A_137 : vector<16xi32>
      %add3A_139 = arith.constant 1 : i32
      %add3A_140 = vector.broadcast %add3A_139 : i32 to vector<16xi32>
      %add3A_141 = arith.addi %mul3A_138, %add3A_140 : vector<16xi32>
      %swap3A_142 = arith.constant 48 : index
      %swap3A_143 = tpu.vector_load %arg15[%swap3A_142] {strides = array<i32>} : memref<96xi32, #tpu.memory_space<vmem>>, vector<16xi32>,
      %swap3A_144 = vector.shape_cast %swap3A_143 : vector<16xi32> to vector<16xi32>
      %swap3A_145 = vector.shape_cast %add3A_141 : vector<16xi32> to vector<16xi32>
      tpu.vector_store %arg15[%swap3A_142], %swap3A_145 {strides = array<i32>} : memref<96xi32, #tpu.memory_space<vmem>>, vector<16xi32>,
      %mul3A_146 = arith.constant 5000 : i32
      %mul3A_147 = vector.broadcast %mul3A_146 : i32 to vector<16xi32>
      %mul3A_148 = arith.muli %get3A_122, %mul3A_147 : vector<16xi32>
      %add3A_149 = arith.addi %mul3A_148, %get3A_125 : vector<16xi32>
      %mul3A_150 = arith.constant 3 : i32
      %mul3A_151 = vector.broadcast %mul3A_150 : i32 to vector<16xi32>
      %mul3A_152 = arith.muli %add3A_149, %mul3A_151 : vector<16xi32>
      %add3A_153 = arith.constant 1 : i32
      %add3A_154 = vector.broadcast %add3A_153 : i32 to vector<16xi32>
      %add3A_155 = arith.addi %mul3A_152, %add3A_154 : vector<16xi32>
      %swap3A_156 = arith.constant 48 : index
      %swap3A_157 = tpu.vector_load %arg16[%swap3A_156] {strides = array<i32>} : memref<96xi32, #tpu.memory_space<vmem>>, vector<16xi32>,
      %swap3A_158 = vector.shape_cast %swap3A_157 : vector<16xi32> to vector<16xi32>
      %swap3A_159 = vector.shape_cast %add3A_155 : vector<16xi32> to vector<16xi32>
      tpu.vector_store %arg16[%swap3A_156], %swap3A_159 {strides = array<i32>} : memref<96xi32, #tpu.memory_space<vmem>>, vector<16xi32>,
      %get3A_160 = arith.constant 0 : index
      %get3A_161 = tpu.vector_load %arg12[%get3A_160] {strides = array<i32>} : memref<32xi32, #tpu.memory_space<vmem>>, vector<16xi32>,
      %get3A_162 = vector.shape_cast %get3A_161 : vector<16xi32> to vector<16xi32>
      %get3A_163 = arith.constant 0 : index
      %get3A_164 = tpu.vector_load %arg13[%get3A_163] {strides = array<i32>} : memref<32xi32, #tpu.memory_space<vmem>>, vector<16xi32>,
      %get3A_165 = vector.shape_cast %get3A_164 : vector<16xi32> to vector<16xi32>
      %mul3A_166 = arith.constant 3 : i32
      %mul3A_167 = vector.broadcast %mul3A_166 : i32 to vector<16xi32>
      %mul3A_168 = arith.muli %get3A_162, %mul3A_167 : vector<16xi32>
      %add3A_169 = arith.constant 2 : i32
      %add3A_170 = vector.broadcast %add3A_169 : i32 to vector<16xi32>
      %add3A_171 = arith.addi %mul3A_168, %add3A_170 : vector<16xi32>
      %swap3A_172 = arith.constant 64 : index
      %swap3A_173 = tpu.vector_load %arg14[%swap3A_172] {strides = array<i32>} : memref<96xi32, #tpu.memory_space<vmem>>, vector<16xi32>,
      %swap3A_174 = vector.shape_cast %swap3A_173 : vector<16xi32> to vector<16xi32>
      %swap3A_175 = vector.shape_cast %add3A_171 : vector<16xi32> to vector<16xi32>
      tpu.vector_store %arg14[%swap3A_172], %swap3A_175 {strides = array<i32>} : memref<96xi32, #tpu.memory_space<vmem>>, vector<16xi32>,
      %mul3A_176 = arith.constant 3 : i32
      %mul3A_177 = vector.broadcast %mul3A_176 : i32 to vector<16xi32>
      %mul3A_178 = arith.muli %get3A_165, %mul3A_177 : vector<16xi32>
      %add3A_179 = arith.constant 2 : i32
      %add3A_180 = vector.broadcast %add3A_179 : i32 to vector<16xi32>
      %add3A_181 = arith.addi %mul3A_178, %add3A_180 : vector<16xi32>
      %swap3A_182 = arith.constant 64 : index
      %swap3A_183 = tpu.vector_load %arg15[%swap3A_182] {strides = array<i32>} : memref<96xi32, #tpu.memory_space<vmem>>, vector<16xi32>,
      %swap3A_184 = vector.shape_cast %swap3A_183 : vector<16xi32> to vector<16xi32>
      %swap3A_185 = vector.shape_cast %add3A_181 : vector<16xi32> to vector<16xi32>
      tpu.vector_store %arg15[%swap3A_182], %swap3A_185 {strides = array<i32>} : memref<96xi32, #tpu.memory_space<vmem>>, vector<16xi32>,
      %mul3A_186 = arith.constant 5000 : i32
      %mul3A_187 = vector.broadcast %mul3A_186 : i32 to vector<16xi32>
      %mul3A_188 = arith.muli %get3A_162, %mul3A_187 : vector<16xi32>
      %add3A_189 = arith.addi %mul3A_188, %get3A_165 : vector<16xi32>
      %mul3A_190 = arith.constant 3 : i32
      %mul3A_191 = vector.broadcast %mul3A_190 : i32 to vector<16xi32>
      %mul3A_192 = arith.muli %add3A_189, %mul3A_191 : vector<16xi32>
      %add3A_193 = arith.constant 2 : i32
      %add3A_194 = vector.broadcast %add3A_193 : i32 to vector<16xi32>
      %add3A_195 = arith.addi %mul3A_192, %add3A_194 : vector<16xi32>
      %swap3A_196 = arith.constant 64 : index
      %swap3A_197 = tpu.vector_load %arg16[%swap3A_196] {strides = array<i32>} : memref<96xi32, #tpu.memory_space<vmem>>, vector<16xi32>,
      %swap3A_198 = vector.shape_cast %swap3A_197 : vector<16xi32> to vector<16xi32>
      %swap3A_199 = vector.shape_cast %add3A_195 : vector<16xi32> to vector<16xi32>
      tpu.vector_store %arg16[%swap3A_196], %swap3A_199 {strides = array<i32>} : memref<96xi32, #tpu.memory_space<vmem>>, vector<16xi32>,
      %get3A_200 = arith.constant 16 : index
      %get3A_201 = tpu.vector_load %arg12[%get3A_200] {strides = array<i32>} : memref<32xi32, #tpu.memory_space<vmem>>, vector<16xi32>,
      %get3A_202 = vector.shape_cast %get3A_201 : vector<16xi32> to vector<16xi32>
      %get3A_203 = arith.constant 16 : index
      %get3A_204 = tpu.vector_load %arg13[%get3A_203] {strides = array<i32>} : memref<32xi32, #tpu.memory_space<vmem>>, vector<16xi32>,
      %get3A_205 = vector.shape_cast %get3A_204 : vector<16xi32> to vector<16xi32>
      %mul3A_206 = arith.constant 3 : i32
      %mul3A_207 = vector.broadcast %mul3A_206 : i32 to vector<16xi32>
      %mul3A_208 = arith.muli %get3A_202, %mul3A_207 : vector<16xi32>
      %add3A_209 = arith.constant 2 : i32
      %add3A_210 = vector.broadcast %add3A_209 : i32 to vector<16xi32>
      %add3A_211 = arith.addi %mul3A_208, %add3A_210 : vector<16xi32>
      %swap3A_212 = arith.constant 80 : index
      %swap3A_213 = tpu.vector_load %arg14[%swap3A_212] {strides = array<i32>} : memref<96xi32, #tpu.memory_space<vmem>>, vector<16xi32>,
      %swap3A_214 = vector.shape_cast %swap3A_213 : vector<16xi32> to vector<16xi32>
      %swap3A_215 = vector.shape_cast %add3A_211 : vector<16xi32> to vector<16xi32>
      tpu.vector_store %arg14[%swap3A_212], %swap3A_215 {strides = array<i32>} : memref<96xi32, #tpu.memory_space<vmem>>, vector<16xi32>,
      %mul3A_216 = arith.constant 3 : i32
      %mul3A_217 = vector.broadcast %mul3A_216 : i32 to vector<16xi32>
      %mul3A_218 = arith.muli %get3A_205, %mul3A_217 : vector<16xi32>
      %add3A_219 = arith.constant 2 : i32
      %add3A_220 = vector.broadcast %add3A_219 : i32 to vector<16xi32>
      %add3A_221 = arith.addi %mul3A_218, %add3A_220 : vector<16xi32>
      %swap3A_222 = arith.constant 80 : index
      %swap3A_223 = tpu.vector_load %arg15[%swap3A_222] {strides = array<i32>} : memref<96xi32, #tpu.memory_space<vmem>>, vector<16xi32>,
      %swap3A_224 = vector.shape_cast %swap3A_223 : vector<16xi32> to vector<16xi32>
      %swap3A_225 = vector.shape_cast %add3A_221 : vector<16xi32> to vector<16xi32>
      tpu.vector_store %arg15[%swap3A_222], %swap3A_225 {strides = array<i32>} : memref<96xi32, #tpu.memory_space<vmem>>, vector<16xi32>,
      %mul3A_226 = arith.constant 5000 : i32
      %mul3A_227 = vector.broadcast %mul3A_226 : i32 to vector<16xi32>
      %mul3A_228 = arith.muli %get3A_202, %mul3A_227 : vector<16xi32>
      %add3A_229 = arith.addi %mul3A_228, %get3A_205 : vector<16xi32>
      %mul3A_230 = arith.constant 3 : i32
      %mul3A_231 = vector.broadcast %mul3A_230 : i32 to vector<16xi32>
      %mul3A_232 = arith.muli %add3A_229, %mul3A_231 : vector<16xi32>
      %add3A_233 = arith.constant 2 : i32
      %add3A_234 = vector.broadcast %add3A_233 : i32 to vector<16xi32>
      %add3A_235 = arith.addi %mul3A_232, %add3A_234 : vector<16xi32>
      %swap3A_236 = arith.constant 80 : index
      %swap3A_237 = tpu.vector_load %arg16[%swap3A_236] {strides = array<i32>} : memref<96xi32, #tpu.memory_space<vmem>>, vector<16xi32>,
      %swap3A_238 = vector.shape_cast %swap3A_237 : vector<16xi32> to vector<16xi32>
      %swap3A_239 = vector.shape_cast %add3A_235 : vector<16xi32> to vector<16xi32>
      tpu.vector_store %arg16[%swap3A_236], %swap3A_239 {strides = array<i32>} : memref<96xi32, #tpu.memory_space<vmem>>, vector<16xi32>,
      %dma_start3A = arith.constant 0 : i32
      %dma_start3A_240 = tpu.memref_slice %arg4[%dma_start3A] : memref<300xf32, #tpu.memory_space<hbm>> -> memref<300xf32, #tpu.memory_space<hbm>>
      tpu.enqueue_indirect_dma source(%dma_start3A_240 : memref<300xf32, #tpu.memory_space<hbm>>) target(%arg17 : memref<96xf32, #tpu.memory_space<vmem>>) offsets(%arg14 : memref<96xi32, #tpu.memory_space<vmem>>) semaphore(%arg25 : memref<!tpu.dma_semaphore, #tpu.memory_space<semaphore_mem>>)
      %dma_start3A_241 = arith.constant 0 : i32
      %dma_start3A_242 = tpu.memref_slice %arg6[%dma_start3A_241] : memref<15000xf32, #tpu.memory_space<hbm>> -> memref<15000xf32, #tpu.memory_space<hbm>>
      tpu.enqueue_indirect_dma source(%dma_start3A_242 : memref<15000xf32, #tpu.memory_space<hbm>>) target(%arg18 : memref<96xf32, #tpu.memory_space<vmem>>) offsets(%arg15 : memref<96xi32, #tpu.memory_space<vmem>>) semaphore(%arg25 : memref<!tpu.dma_semaphore, #tpu.memory_space<semaphore_mem>>)
      %dma_start3A_243 = arith.constant 0 : i32
      %dma_start3A_244 = tpu.memref_slice %arg8[%dma_start3A_243] : memref<1500000xf32, #tpu.memory_space<hbm>> -> memref<1500000xf32, #tpu.memory_space<hbm>>
      tpu.enqueue_indirect_dma source(%dma_start3A_244 : memref<1500000xf32, #tpu.memory_space<hbm>>) target(%arg19 : memref<96xf32, #tpu.memory_space<vmem>>) offsets(%arg16 : memref<96xi32, #tpu.memory_space<vmem>>) semaphore(%arg25 : memref<!tpu.dma_semaphore, #tpu.memory_space<semaphore_mem>>)
      %dma_start3A_245 = arith.constant 0 : i32
      %dma_start3A_246 = tpu.memref_slice %arg5[%dma_start3A_245] : memref<300xf32, #tpu.memory_space<hbm>> -> memref<300xf32, #tpu.memory_space<hbm>>
      tpu.enqueue_indirect_dma source(%dma_start3A_246 : memref<300xf32, #tpu.memory_space<hbm>>) target(%arg20 : memref<96xf32, #tpu.memory_space<vmem>>) offsets(%arg14 : memref<96xi32, #tpu.memory_space<vmem>>) semaphore(%arg25 : memref<!tpu.dma_semaphore, #tpu.memory_space<semaphore_mem>>)
      %dma_start3A_247 = arith.constant 0 : i32
      %dma_start3A_248 = tpu.memref_slice %arg7[%dma_start3A_247] : memref<15000xf32, #tpu.memory_space<hbm>> -> memref<15000xf32, #tpu.memory_space<hbm>>
      tpu.enqueue_indirect_dma source(%dma_start3A_248 : memref<15000xf32, #tpu.memory_space<hbm>>) target(%arg21 : memref<96xf32, #tpu.memory_space<vmem>>) offsets(%arg15 : memref<96xi32, #tpu.memory_space<vmem>>) semaphore(%arg25 : memref<!tpu.dma_semaphore, #tpu.memory_space<semaphore_mem>>)
      %dma_start3A_249 = arith.constant 0 : i32
      %dma_start3A_250 = tpu.memref_slice %arg9[%dma_start3A_249] : memref<1500000xf32, #tpu.memory_space<hbm>> -> memref<1500000xf32, #tpu.memory_space<hbm>>
      tpu.enqueue_indirect_dma source(%dma_start3A_250 : memref<1500000xf32, #tpu.memory_space<hbm>>) target(%arg22 : memref<96xf32, #tpu.memory_space<vmem>>) offsets(%arg16 : memref<96xi32, #tpu.memory_space<vmem>>) semaphore(%arg25 : memref<!tpu.dma_semaphore, #tpu.memory_space<semaphore_mem>>)
      %dma_wait3A = arith.constant 0 : i32
      %dma_wait3A_251 = tpu.memref_slice %arg4[%dma_wait3A] : memref<300xf32, #tpu.memory_space<hbm>> -> memref<300xf32, #tpu.memory_space<hbm>>
      tpu.wait_indirect_dma semaphore(%arg25 : memref<!tpu.dma_semaphore, #tpu.memory_space<semaphore_mem>>) src(%dma_wait3A_251 : memref<300xf32, #tpu.memory_space<hbm>>) dst(%arg17 : memref<96xf32, #tpu.memory_space<vmem>>)
      %dma_wait3A_252 = arith.constant 0 : i32
      %dma_wait3A_253 = tpu.memref_slice %arg6[%dma_wait3A_252] : memref<15000xf32, #tpu.memory_space<hbm>> -> memref<15000xf32, #tpu.memory_space<hbm>>
      tpu.wait_indirect_dma semaphore(%arg25 : memref<!tpu.dma_semaphore, #tpu.memory_space<semaphore_mem>>) src(%dma_wait3A_253 : memref<15000xf32, #tpu.memory_space<hbm>>) dst(%arg18 : memref<96xf32, #tpu.memory_space<vmem>>)
      %dma_wait3A_254 = arith.constant 0 : i32
      %dma_wait3A_255 = tpu.memref_slice %arg8[%dma_wait3A_254] : memref<1500000xf32, #tpu.memory_space<hbm>> -> memref<1500000xf32, #tpu.memory_space<hbm>>
      tpu.wait_indirect_dma semaphore(%arg25 : memref<!tpu.dma_semaphore, #tpu.memory_space<semaphore_mem>>) src(%dma_wait3A_255 : memref<1500000xf32, #tpu.memory_space<hbm>>) dst(%arg19 : memref<96xf32, #tpu.memory_space<vmem>>)
      %dma_wait3A_256 = arith.constant 0 : i32
      %dma_wait3A_257 = tpu.memref_slice %arg5[%dma_wait3A_256] : memref<300xf32, #tpu.memory_space<hbm>> -> memref<300xf32, #tpu.memory_space<hbm>>
      tpu.wait_indirect_dma semaphore(%arg25 : memref<!tpu.dma_semaphore, #tpu.memory_space<semaphore_mem>>) src(%dma_wait3A_257 : memref<300xf32, #tpu.memory_space<hbm>>) dst(%arg20 : memref<96xf32, #tpu.memory_space<vmem>>)
      %dma_wait3A_258 = arith.constant 0 : i32
      %dma_wait3A_259 = tpu.memref_slice %arg7[%dma_wait3A_258] : memref<15000xf32, #tpu.memory_space<hbm>> -> memref<15000xf32, #tpu.memory_space<hbm>>
      tpu.wait_indirect_dma semaphore(%arg25 : memref<!tpu.dma_semaphore, #tpu.memory_space<semaphore_mem>>) src(%dma_wait3A_259 : memref<15000xf32, #tpu.memory_space<hbm>>) dst(%arg21 : memref<96xf32, #tpu.memory_space<vmem>>)
      %dma_wait3A_260 = arith.constant 0 : i32
      %dma_wait3A_261 = tpu.memref_slice %arg9[%dma_wait3A_260] : memref<1500000xf32, #tpu.memory_space<hbm>> -> memref<1500000xf32, #tpu.memory_space<hbm>>
      tpu.wait_indirect_dma semaphore(%arg25 : memref<!tpu.dma_semaphore, #tpu.memory_space<semaphore_mem>>) src(%dma_wait3A_261 : memref<1500000xf32, #tpu.memory_space<hbm>>) dst(%arg22 : memref<96xf32, #tpu.memory_space<vmem>>)
      %get3A_262 = arith.constant 0 : index
      %get3A_263 = tpu.vector_load %arg17[%get3A_262] {strides = array<i32>} : memref<96xf32, #tpu.memory_space<vmem>>, vector<16xf32>,
      %get3A_264 = vector.shape_cast %get3A_263 : vector<16xf32> to vector<16xf32>
      %get3A_265 = arith.constant 0 : index
      %get3A_266 = tpu.vector_load %arg18[%get3A_265] {strides = array<i32>} : memref<96xf32, #tpu.memory_space<vmem>>, vector<16xf32>,
      %get3A_267 = vector.shape_cast %get3A_266 : vector<16xf32> to vector<16xf32>
      %add3A_268 = arith.addf %get3A_264, %get3A_267 : vector<16xf32>
      %get3A_269 = arith.constant 0 : index
      %get3A_270 = tpu.vector_load %arg19[%get3A_269] {strides = array<i32>} : memref<96xf32, #tpu.memory_space<vmem>>, vector<16xf32>,
      %get3A_271 = vector.shape_cast %get3A_270 : vector<16xf32> to vector<16xf32>
      %mul3A_272 = arith.constant 1.000000e+01 : f32
      %mul3A_273 = vector.broadcast %mul3A_272 : f32 to vector<16xf32>
      %mul3A_274 = arith.mulf %mul3A_273, %get3A_271 : vector<16xf32>
      %add3A_275 = arith.addf %add3A_268, %mul3A_274 : vector<16xf32>
      %swap3A_276 = arith.constant 0 : index
      %swap3A_277 = tpu.vector_load %arg23[%swap3A_276] {strides = array<i32>} : memref<96xf32, #tpu.memory_space<vmem>>, vector<16xf32>,
      %swap3A_278 = vector.shape_cast %swap3A_277 : vector<16xf32> to vector<16xf32>
      %swap3A_279 = vector.shape_cast %add3A_275 : vector<16xf32> to vector<16xf32>
      tpu.vector_store %arg23[%swap3A_276], %swap3A_279 {strides = array<i32>} : memref<96xf32, #tpu.memory_space<vmem>>, vector<16xf32>,
      %get3A_280 = arith.constant 0 : index
      %get3A_281 = tpu.vector_load %arg20[%get3A_280] {strides = array<i32>} : memref<96xf32, #tpu.memory_space<vmem>>, vector<16xf32>,
      %get3A_282 = vector.shape_cast %get3A_281 : vector<16xf32> to vector<16xf32>
      %get3A_283 = arith.constant 0 : index
      %get3A_284 = tpu.vector_load %arg21[%get3A_283] {strides = array<i32>} : memref<96xf32, #tpu.memory_space<vmem>>, vector<16xf32>,
      %get3A_285 = vector.shape_cast %get3A_284 : vector<16xf32> to vector<16xf32>
      %add3A_286 = arith.addf %get3A_282, %get3A_285 : vector<16xf32>
      %get3A_287 = arith.constant 0 : index
      %get3A_288 = tpu.vector_load %arg22[%get3A_287] {strides = array<i32>} : memref<96xf32, #tpu.memory_space<vmem>>, vector<16xf32>,
      %get3A_289 = vector.shape_cast %get3A_288 : vector<16xf32> to vector<16xf32>
      %mul3A_290 = arith.constant 1.000000e+01 : f32
      %mul3A_291 = vector.broadcast %mul3A_290 : f32 to vector<16xf32>
      %mul3A_292 = arith.mulf %mul3A_291, %get3A_289 : vector<16xf32>
      %add3A_293 = arith.addf %add3A_286, %mul3A_292 : vector<16xf32>
      %swap3A_294 = arith.constant 0 : index
      %swap3A_295 = tpu.vector_load %arg24[%swap3A_294] {strides = array<i32>} : memref<96xf32, #tpu.memory_space<vmem>>, vector<16xf32>,
      %swap3A_296 = vector.shape_cast %swap3A_295 : vector<16xf32> to vector<16xf32>
      %swap3A_297 = vector.shape_cast %add3A_293 : vector<16xf32> to vector<16xf32>
      tpu.vector_store %arg24[%swap3A_294], %swap3A_297 {strides = array<i32>} : memref<96xf32, #tpu.memory_space<vmem>>, vector<16xf32>,
      %get3A_298 = arith.constant 16 : index
      %get3A_299 = tpu.vector_load %arg17[%get3A_298] {strides = array<i32>} : memref<96xf32, #tpu.memory_space<vmem>>, vector<16xf32>,
      %get3A_300 = vector.shape_cast %get3A_299 : vector<16xf32> to vector<16xf32>
      %get3A_301 = arith.constant 16 : index
      %get3A_302 = tpu.vector_load %arg18[%get3A_301] {strides = array<i32>} : memref<96xf32, #tpu.memory_space<vmem>>, vector<16xf32>,
      %get3A_303 = vector.shape_cast %get3A_302 : vector<16xf32> to vector<16xf32>
      %add3A_304 = arith.addf %get3A_300, %get3A_303 : vector<16xf32>
      %get3A_305 = arith.constant 16 : index
      %get3A_306 = tpu.vector_load %arg19[%get3A_305] {strides = array<i32>} : memref<96xf32, #tpu.memory_space<vmem>>, vector<16xf32>,
      %get3A_307 = vector.shape_cast %get3A_306 : vector<16xf32> to vector<16xf32>
      %mul3A_308 = arith.constant 1.000000e+01 : f32
      %mul3A_309 = vector.broadcast %mul3A_308 : f32 to vector<16xf32>
      %mul3A_310 = arith.mulf %mul3A_309, %get3A_307 : vector<16xf32>
      %add3A_311 = arith.addf %add3A_304, %mul3A_310 : vector<16xf32>
      %swap3A_312 = arith.constant 16 : index
      %swap3A_313 = tpu.vector_load %arg23[%swap3A_312] {strides = array<i32>} : memref<96xf32, #tpu.memory_space<vmem>>, vector<16xf32>,
      %swap3A_314 = vector.shape_cast %swap3A_313 : vector<16xf32> to vector<16xf32>
      %swap3A_315 = vector.shape_cast %add3A_311 : vector<16xf32> to vector<16xf32>
      tpu.vector_store %arg23[%swap3A_312], %swap3A_315 {strides = array<i32>} : memref<96xf32, #tpu.memory_space<vmem>>, vector<16xf32>,
      %get3A_316 = arith.constant 16 : index
      %get3A_317 = tpu.vector_load %arg20[%get3A_316] {strides = array<i32>} : memref<96xf32, #tpu.memory_space<vmem>>, vector<16xf32>,
      %get3A_318 = vector.shape_cast %get3A_317 : vector<16xf32> to vector<16xf32>
      %get3A_319 = arith.constant 16 : index
      %get3A_320 = tpu.vector_load %arg21[%get3A_319] {strides = array<i32>} : memref<96xf32, #tpu.memory_space<vmem>>, vector<16xf32>,
      %get3A_321 = vector.shape_cast %get3A_320 : vector<16xf32> to vector<16xf32>
      %add3A_322 = arith.addf %get3A_318, %get3A_321 : vector<16xf32>
      %get3A_323 = arith.constant 16 : index
      %get3A_324 = tpu.vector_load %arg22[%get3A_323] {strides = array<i32>} : memref<96xf32, #tpu.memory_space<vmem>>, vector<16xf32>,
      %get3A_325 = vector.shape_cast %get3A_324 : vector<16xf32> to vector<16xf32>
      %mul3A_326 = arith.constant 1.000000e+01 : f32
      %mul3A_327 = vector.broadcast %mul3A_326 : f32 to vector<16xf32>
      %mul3A_328 = arith.mulf %mul3A_327, %get3A_325 : vector<16xf32>
      %add3A_329 = arith.addf %add3A_322, %mul3A_328 : vector<16xf32>
      %swap3A_330 = arith.constant 16 : index
      %swap3A_331 = tpu.vector_load %arg24[%swap3A_330] {strides = array<i32>} : memref<96xf32, #tpu.memory_space<vmem>>, vector<16xf32>,
      %swap3A_332 = vector.shape_cast %swap3A_331 : vector<16xf32> to vector<16xf32>
      %swap3A_333 = vector.shape_cast %add3A_329 : vector<16xf32> to vector<16xf32>
      tpu.vector_store %arg24[%swap3A_330], %swap3A_333 {strides = array<i32>} : memref<96xf32, #tpu.memory_space<vmem>>, vector<16xf32>,
      %get3A_334 = arith.constant 32 : index
      %get3A_335 = tpu.vector_load %arg17[%get3A_334] {strides = array<i32>} : memref<96xf32, #tpu.memory_space<vmem>>, vector<16xf32>,
      %get3A_336 = vector.shape_cast %get3A_335 : vector<16xf32> to vector<16xf32>
      %get3A_337 = arith.constant 32 : index
      %get3A_338 = tpu.vector_load %arg18[%get3A_337] {strides = array<i32>} : memref<96xf32, #tpu.memory_space<vmem>>, vector<16xf32>,
      %get3A_339 = vector.shape_cast %get3A_338 : vector<16xf32> to vector<16xf32>
      %add3A_340 = arith.addf %get3A_336, %get3A_339 : vector<16xf32>
      %get3A_341 = arith.constant 32 : index
      %get3A_342 = tpu.vector_load %arg19[%get3A_341] {strides = array<i32>} : memref<96xf32, #tpu.memory_space<vmem>>, vector<16xf32>,
      %get3A_343 = vector.shape_cast %get3A_342 : vector<16xf32> to vector<16xf32>
      %mul3A_344 = arith.constant 1.000000e+01 : f32
      %mul3A_345 = vector.broadcast %mul3A_344 : f32 to vector<16xf32>
      %mul3A_346 = arith.mulf %mul3A_345, %get3A_343 : vector<16xf32>
      %add3A_347 = arith.addf %add3A_340, %mul3A_346 : vector<16xf32>
      %swap3A_348 = arith.constant 32 : index
      %swap3A_349 = tpu.vector_load %arg23[%swap3A_348] {strides = array<i32>} : memref<96xf32, #tpu.memory_space<vmem>>, vector<16xf32>,
      %swap3A_350 = vector.shape_cast %swap3A_349 : vector<16xf32> to vector<16xf32>
      %swap3A_351 = vector.shape_cast %add3A_347 : vector<16xf32> to vector<16xf32>
      tpu.vector_store %arg23[%swap3A_348], %swap3A_351 {strides = array<i32>} : memref<96xf32, #tpu.memory_space<vmem>>, vector<16xf32>,
      %get3A_352 = arith.constant 32 : index
      %get3A_353 = tpu.vector_load %arg20[%get3A_352] {strides = array<i32>} : memref<96xf32, #tpu.memory_space<vmem>>, vector<16xf32>,
      %get3A_354 = vector.shape_cast %get3A_353 : vector<16xf32> to vector<16xf32>
      %get3A_355 = arith.constant 32 : index
      %get3A_356 = tpu.vector_load %arg21[%get3A_355] {strides = array<i32>} : memref<96xf32, #tpu.memory_space<vmem>>, vector<16xf32>,
      %get3A_357 = vector.shape_cast %get3A_356 : vector<16xf32> to vector<16xf32>
      %add3A_358 = arith.addf %get3A_354, %get3A_357 : vector<16xf32>
      %get3A_359 = arith.constant 32 : index
      %get3A_360 = tpu.vector_load %arg22[%get3A_359] {strides = array<i32>} : memref<96xf32, #tpu.memory_space<vmem>>, vector<16xf32>,
      %get3A_361 = vector.shape_cast %get3A_360 : vector<16xf32> to vector<16xf32>
      %mul3A_362 = arith.constant 1.000000e+01 : f32
      %mul3A_363 = vector.broadcast %mul3A_362 : f32 to vector<16xf32>
      %mul3A_364 = arith.mulf %mul3A_363, %get3A_361 : vector<16xf32>
      %add3A_365 = arith.addf %add3A_358, %mul3A_364 : vector<16xf32>
      %swap3A_366 = arith.constant 32 : index
      %swap3A_367 = tpu.vector_load %arg24[%swap3A_366] {strides = array<i32>} : memref<96xf32, #tpu.memory_space<vmem>>, vector<16xf32>,
      %swap3A_368 = vector.shape_cast %swap3A_367 : vector<16xf32> to vector<16xf32>
      %swap3A_369 = vector.shape_cast %add3A_365 : vector<16xf32> to vector<16xf32>
      tpu.vector_store %arg24[%swap3A_366], %swap3A_369 {strides = array<i32>} : memref<96xf32, #tpu.memory_space<vmem>>, vector<16xf32>,
      %get3A_370 = arith.constant 48 : index
      %get3A_371 = tpu.vector_load %arg17[%get3A_370] {strides = array<i32>} : memref<96xf32, #tpu.memory_space<vmem>>, vector<16xf32>,
      %get3A_372 = vector.shape_cast %get3A_371 : vector<16xf32> to vector<16xf32>
      %get3A_373 = arith.constant 48 : index
      %get3A_374 = tpu.vector_load %arg18[%get3A_373] {strides = array<i32>} : memref<96xf32, #tpu.memory_space<vmem>>, vector<16xf32>,
      %get3A_375 = vector.shape_cast %get3A_374 : vector<16xf32> to vector<16xf32>
      %add3A_376 = arith.addf %get3A_372, %get3A_375 : vector<16xf32>
      %get3A_377 = arith.constant 48 : index
      %get3A_378 = tpu.vector_load %arg19[%get3A_377] {strides = array<i32>} : memref<96xf32, #tpu.memory_space<vmem>>, vector<16xf32>,
      %get3A_379 = vector.shape_cast %get3A_378 : vector<16xf32> to vector<16xf32>
      %mul3A_380 = arith.constant 1.000000e+01 : f32
      %mul3A_381 = vector.broadcast %mul3A_380 : f32 to vector<16xf32>
      %mul3A_382 = arith.mulf %mul3A_381, %get3A_379 : vector<16xf32>
      %add3A_383 = arith.addf %add3A_376, %mul3A_382 : vector<16xf32>
      %swap3A_384 = arith.constant 48 : index
      %swap3A_385 = tpu.vector_load %arg23[%swap3A_384] {strides = array<i32>} : memref<96xf32, #tpu.memory_space<vmem>>, vector<16xf32>,
      %swap3A_386 = vector.shape_cast %swap3A_385 : vector<16xf32> to vector<16xf32>
      %swap3A_387 = vector.shape_cast %add3A_383 : vector<16xf32> to vector<16xf32>
      tpu.vector_store %arg23[%swap3A_384], %swap3A_387 {strides = array<i32>} : memref<96xf32, #tpu.memory_space<vmem>>, vector<16xf32>,
      %get3A_388 = arith.constant 48 : index
      %get3A_389 = tpu.vector_load %arg20[%get3A_388] {strides = array<i32>} : memref<96xf32, #tpu.memory_space<vmem>>, vector<16xf32>,
      %get3A_390 = vector.shape_cast %get3A_389 : vector<16xf32> to vector<16xf32>
      %get3A_391 = arith.constant 48 : index
      %get3A_392 = tpu.vector_load %arg21[%get3A_391] {strides = array<i32>} : memref<96xf32, #tpu.memory_space<vmem>>, vector<16xf32>,
      %get3A_393 = vector.shape_cast %get3A_392 : vector<16xf32> to vector<16xf32>
      %add3A_394 = arith.addf %get3A_390, %get3A_393 : vector<16xf32>
      %get3A_395 = arith.constant 48 : index
      %get3A_396 = tpu.vector_load %arg22[%get3A_395] {strides = array<i32>} : memref<96xf32, #tpu.memory_space<vmem>>, vector<16xf32>,
      %get3A_397 = vector.shape_cast %get3A_396 : vector<16xf32> to vector<16xf32>
      %mul3A_398 = arith.constant 1.000000e+01 : f32
      %mul3A_399 = vector.broadcast %mul3A_398 : f32 to vector<16xf32>
      %mul3A_400 = arith.mulf %mul3A_399, %get3A_397 : vector<16xf32>
      %add3A_401 = arith.addf %add3A_394, %mul3A_400 : vector<16xf32>
      %swap3A_402 = arith.constant 48 : index
      %swap3A_403 = tpu.vector_load %arg24[%swap3A_402] {strides = array<i32>} : memref<96xf32, #tpu.memory_space<vmem>>, vector<16xf32>,
      %swap3A_404 = vector.shape_cast %swap3A_403 : vector<16xf32> to vector<16xf32>
      %swap3A_405 = vector.shape_cast %add3A_401 : vector<16xf32> to vector<16xf32>
      tpu.vector_store %arg24[%swap3A_402], %swap3A_405 {strides = array<i32>} : memref<96xf32, #tpu.memory_space<vmem>>, vector<16xf32>,
      %get3A_406 = arith.constant 64 : index
      %get3A_407 = tpu.vector_load %arg17[%get3A_406] {strides = array<i32>} : memref<96xf32, #tpu.memory_space<vmem>>, vector<16xf32>,
      %get3A_408 = vector.shape_cast %get3A_407 : vector<16xf32> to vector<16xf32>
      %get3A_409 = arith.constant 64 : index
      %get3A_410 = tpu.vector_load %arg18[%get3A_409] {strides = array<i32>} : memref<96xf32, #tpu.memory_space<vmem>>, vector<16xf32>,
      %get3A_411 = vector.shape_cast %get3A_410 : vector<16xf32> to vector<16xf32>
      %add3A_412 = arith.addf %get3A_408, %get3A_411 : vector<16xf32>
      %get3A_413 = arith.constant 64 : index
      %get3A_414 = tpu.vector_load %arg19[%get3A_413] {strides = array<i32>} : memref<96xf32, #tpu.memory_space<vmem>>, vector<16xf32>,
      %get3A_415 = vector.shape_cast %get3A_414 : vector<16xf32> to vector<16xf32>
      %mul3A_416 = arith.constant 1.000000e+01 : f32
      %mul3A_417 = vector.broadcast %mul3A_416 : f32 to vector<16xf32>
      %mul3A_418 = arith.mulf %mul3A_417, %get3A_415 : vector<16xf32>
      %add3A_419 = arith.addf %add3A_412, %mul3A_418 : vector<16xf32>
      %swap3A_420 = arith.constant 64 : index
      %swap3A_421 = tpu.vector_load %arg23[%swap3A_420] {strides = array<i32>} : memref<96xf32, #tpu.memory_space<vmem>>, vector<16xf32>,
      %swap3A_422 = vector.shape_cast %swap3A_421 : vector<16xf32> to vector<16xf32>
      %swap3A_423 = vector.shape_cast %add3A_419 : vector<16xf32> to vector<16xf32>
      tpu.vector_store %arg23[%swap3A_420], %swap3A_423 {strides = array<i32>} : memref<96xf32, #tpu.memory_space<vmem>>, vector<16xf32>,
      %get3A_424 = arith.constant 64 : index
      %get3A_425 = tpu.vector_load %arg20[%get3A_424] {strides = array<i32>} : memref<96xf32, #tpu.memory_space<vmem>>, vector<16xf32>,
      %get3A_426 = vector.shape_cast %get3A_425 : vector<16xf32> to vector<16xf32>
      %get3A_427 = arith.constant 64 : index
      %get3A_428 = tpu.vector_load %arg21[%get3A_427] {strides = array<i32>} : memref<96xf32, #tpu.memory_space<vmem>>, vector<16xf32>,
      %get3A_429 = vector.shape_cast %get3A_428 : vector<16xf32> to vector<16xf32>
      %add3A_430 = arith.addf %get3A_426, %get3A_429 : vector<16xf32>
      %get3A_431 = arith.constant 64 : index
      %get3A_432 = tpu.vector_load %arg22[%get3A_431] {strides = array<i32>} : memref<96xf32, #tpu.memory_space<vmem>>, vector<16xf32>,
      %get3A_433 = vector.shape_cast %get3A_432 : vector<16xf32> to vector<16xf32>
      %mul3A_434 = arith.constant 1.000000e+01 : f32
      %mul3A_435 = vector.broadcast %mul3A_434 : f32 to vector<16xf32>
      %mul3A_436 = arith.mulf %mul3A_435, %get3A_433 : vector<16xf32>
      %add3A_437 = arith.addf %add3A_430, %mul3A_436 : vector<16xf32>
      %swap3A_438 = arith.constant 64 : index
      %swap3A_439 = tpu.vector_load %arg24[%swap3A_438] {strides = array<i32>} : memref<96xf32, #tpu.memory_space<vmem>>, vector<16xf32>,
      %swap3A_440 = vector.shape_cast %swap3A_439 : vector<16xf32> to vector<16xf32>
      %swap3A_441 = vector.shape_cast %add3A_437 : vector<16xf32> to vector<16xf32>
      tpu.vector_store %arg24[%swap3A_438], %swap3A_441 {strides = array<i32>} : memref<96xf32, #tpu.memory_space<vmem>>, vector<16xf32>,
      %get3A_442 = arith.constant 80 : index
      %get3A_443 = tpu.vector_load %arg17[%get3A_442] {strides = array<i32>} : memref<96xf32, #tpu.memory_space<vmem>>, vector<16xf32>,
      %get3A_444 = vector.shape_cast %get3A_443 : vector<16xf32> to vector<16xf32>
      %get3A_445 = arith.constant 80 : index
      %get3A_446 = tpu.vector_load %arg18[%get3A_445] {strides = array<i32>} : memref<96xf32, #tpu.memory_space<vmem>>, vector<16xf32>,
      %get3A_447 = vector.shape_cast %get3A_446 : vector<16xf32> to vector<16xf32>
      %add3A_448 = arith.addf %get3A_444, %get3A_447 : vector<16xf32>
      %get3A_449 = arith.constant 80 : index
      %get3A_450 = tpu.vector_load %arg19[%get3A_449] {strides = array<i32>} : memref<96xf32, #tpu.memory_space<vmem>>, vector<16xf32>,
      %get3A_451 = vector.shape_cast %get3A_450 : vector<16xf32> to vector<16xf32>
      %mul3A_452 = arith.constant 1.000000e+01 : f32
      %mul3A_453 = vector.broadcast %mul3A_452 : f32 to vector<16xf32>
      %mul3A_454 = arith.mulf %mul3A_453, %get3A_451 : vector<16xf32>
      %add3A_455 = arith.addf %add3A_448, %mul3A_454 : vector<16xf32>
      %swap3A_456 = arith.constant 80 : index
      %swap3A_457 = tpu.vector_load %arg23[%swap3A_456] {strides = array<i32>} : memref<96xf32, #tpu.memory_space<vmem>>, vector<16xf32>,
      %swap3A_458 = vector.shape_cast %swap3A_457 : vector<16xf32> to vector<16xf32>
      %swap3A_459 = vector.shape_cast %add3A_455 : vector<16xf32> to vector<16xf32>
      tpu.vector_store %arg23[%swap3A_456], %swap3A_459 {strides = array<i32>} : memref<96xf32, #tpu.memory_space<vmem>>, vector<16xf32>,
      %get3A_460 = arith.constant 80 : index
      %get3A_461 = tpu.vector_load %arg20[%get3A_460] {strides = array<i32>} : memref<96xf32, #tpu.memory_space<vmem>>, vector<16xf32>,
      %get3A_462 = vector.shape_cast %get3A_461 : vector<16xf32> to vector<16xf32>
      %get3A_463 = arith.constant 80 : index
      %get3A_464 = tpu.vector_load %arg21[%get3A_463] {strides = array<i32>} : memref<96xf32, #tpu.memory_space<vmem>>, vector<16xf32>,
      %get3A_465 = vector.shape_cast %get3A_464 : vector<16xf32> to vector<16xf32>
      %add3A_466 = arith.addf %get3A_462, %get3A_465 : vector<16xf32>
      %get3A_467 = arith.constant 80 : index
      %get3A_468 = tpu.vector_load %arg22[%get3A_467] {strides = array<i32>} : memref<96xf32, #tpu.memory_space<vmem>>, vector<16xf32>,
      %get3A_469 = vector.shape_cast %get3A_468 : vector<16xf32> to vector<16xf32>
      %mul3A_470 = arith.constant 1.000000e+01 : f32
      %mul3A_471 = vector.broadcast %mul3A_470 : f32 to vector<16xf32>
      %mul3A_472 = arith.mulf %mul3A_471, %get3A_469 : vector<16xf32>
      %add3A_473 = arith.addf %add3A_466, %mul3A_472 : vector<16xf32>
      %swap3A_474 = arith.constant 80 : index
      %swap3A_475 = tpu.vector_load %arg24[%swap3A_474] {strides = array<i32>} : memref<96xf32, #tpu.memory_space<vmem>>, vector<16xf32>,
      %swap3A_476 = vector.shape_cast %swap3A_475 : vector<16xf32> to vector<16xf32>
      %swap3A_477 = vector.shape_cast %add3A_473 : vector<16xf32> to vector<16xf32>
      tpu.vector_store %arg24[%swap3A_474], %swap3A_477 {strides = array<i32>} : memref<96xf32, #tpu.memory_space<vmem>>, vector<16xf32>,
      "tpu.region"() ({
        %run_scoped3A = tpu.sem_alloc : memref<!tpu.dma_semaphore, #tpu.memory_space<semaphore_mem>>
        tpu.enqueue_dma source(%arg23 : memref<96xf32, #tpu.memory_space<vmem>>) target(%arg10 : memref<96xf32, #tpu.memory_space<hbm>>) target_semaphore(%run_scoped3A : memref<!tpu.dma_semaphore, #tpu.memory_space<semaphore_mem>>)
        tpu.wait_dma2 semaphore(%run_scoped3A : memref<!tpu.dma_semaphore, #tpu.memory_space<semaphore_mem>>) src(%arg23 : memref<96xf32, #tpu.memory_space<vmem>>) dst(%arg10 : memref<96xf32, #tpu.memory_space<hbm>>)
        tpu.yield
      }) : () -> ()
      "tpu.region"() ({
        %run_scoped3A = tpu.sem_alloc : memref<!tpu.dma_semaphore, #tpu.memory_space<semaphore_mem>>
        tpu.enqueue_dma source(%arg24 : memref<96xf32, #tpu.memory_space<vmem>>) target(%arg11 : memref<96xf32, #tpu.memory_space<hbm>>) target_semaphore(%run_scoped3A : memref<!tpu.dma_semaphore, #tpu.memory_space<semaphore_mem>>)
        tpu.wait_dma2 semaphore(%run_scoped3A : memref<!tpu.dma_semaphore, #tpu.memory_space<semaphore_mem>>) src(%arg24 : memref<96xf32, #tpu.memory_space<vmem>>) dst(%arg11 : memref<96xf32, #tpu.memory_space<hbm>>)
        tpu.yield
      }) : () -> ()
    } else {
    }
    return
  }
}

module attributes {stable_mosaic.version = 14 : i64} {
  func.func @_scale_body(%arg0: i32, %arg1: memref<96xf32, #tpu.memory_space<smem>>, %arg2: memref<96xf32, #tpu.memory_space<smem>>, %arg3: memref<4x512x512xf32, #tpu.memory_space<vmem>>, %arg4: memref<4x512x512xf32, #tpu.memory_space<vmem>>) attributes {dimension_semantics = [#tpu.dimension_semantics<arbitrary>], iteration_bounds = array<i64: 24>, scalar_prefetch = 0 : i64, scratch_operands = 0 : i64, tpu.core_type = #tpu.core_type<tc>, window_params = [{transform_indices = @transform_0, window_bounds = array<i64: 96>}, {transform_indices = @transform_1, window_bounds = array<i64: 96>}, {transform_indices = @transform_2, window_bounds = array<i64: 4, 512, 512>}, {transform_indices = @transform_3, window_bounds = array<i64: 4, 512, 512>}]} {
    %mul3A = arith.constant 4 : i32
    %mul3A_0 = arith.muli %arg0, %mul3A : i32
    %add3A = arith.constant 0 : i32
    %add3A_1 = arith.addi %mul3A_0, %add3A : i32
    %jit3A = arith.constant 3 : i32
    %div3A = arith.divsi %add3A_1, %jit3A : i32
    %sign3A = arith.constant 0 : i32
    %sign3A_2 = arith.cmpi sgt, %add3A_1, %sign3A : i32
    %sign3A_3 = arith.extui %sign3A_2 : i1 to i32
    %sign3A_4 = arith.constant 0 : i32
    %sign3A_5 = arith.cmpi slt, %add3A_1, %sign3A_4 : i32
    %sign3A_6 = arith.extui %sign3A_5 : i1 to i32
    %sign3A_7 = arith.subi %sign3A_3, %sign3A_6 : i32
    %sign3A_8 = arith.constant 0 : i32
    %sign3A_9 = arith.cmpi sgt, %jit3A, %sign3A_8 : i32
    %sign3A_10 = arith.extui %sign3A_9 : i1 to i32
    %sign3A_11 = arith.constant 0 : i32
    %sign3A_12 = arith.cmpi slt, %jit3A, %sign3A_11 : i32
    %sign3A_13 = arith.extui %sign3A_12 : i1 to i32
    %sign3A_14 = arith.subi %sign3A_10, %sign3A_13 : i32
    %ne3A = arith.cmpi ne, %sign3A_7, %sign3A_14 : i32
    %rem3A = arith.remsi %add3A_1, %jit3A : i32
    %ne3A_15 = arith.constant 0 : i32
    %ne3A_16 = arith.cmpi ne, %rem3A, %ne3A_15 : i32
    %and3A = arith.andi %ne3A, %ne3A_16 : i1
    %sub3A = arith.constant 1 : i32
    %sub3A_17 = arith.subi %div3A, %sub3A : i32
    %select_n3A = arith.select %and3A, %sub3A_17, %div3A : i32
    %mul3A_18 = arith.constant 3 : i32
    %mul3A_19 = arith.muli %mul3A_18, %select_n3A : i32
    %sub3A_20 = arith.subi %add3A_1, %mul3A_19 : i32
    %mul3A_21 = arith.constant 32 : i32
    %mul3A_22 = arith.muli %sub3A_20, %mul3A_21 : i32
    %add3A_23 = arith.addi %mul3A_22, %select_n3A : i32
    %get3A = arith.constant 0 : index
    %get3A_24 = arith.constant 0 : index
    %get3A_25 = arith.constant 0 : index
    %get3A_26 = vector.load %arg3[%get3A, %get3A_24, %get3A_25] : memref<4x512x512xf32, #tpu.memory_space<vmem>>, vector<1x512x512xf32>
    %get3A_27 = vector.shape_cast %get3A_26 : vector<1x512x512xf32> to vector<512x512xf32>
    %get3A_28 = arith.index_cast %add3A_23 : i32 to index
    %get3A_29 = memref.load %arg1[%get3A_28] : memref<96xf32, #tpu.memory_space<smem>>
    %mul3A_30 = vector.broadcast %get3A_29 : f32 to vector<512x512xf32>
    %mul3A_31 = arith.mulf %get3A_27, %mul3A_30 : vector<512x512xf32>
    %get3A_32 = arith.index_cast %add3A_23 : i32 to index
    %get3A_33 = memref.load %arg2[%get3A_32] : memref<96xf32, #tpu.memory_space<smem>>
    %add3A_34 = vector.broadcast %get3A_33 : f32 to vector<512x512xf32>
    %add3A_35 = arith.addf %mul3A_31, %add3A_34 : vector<512x512xf32>
    %swap3A = arith.constant 0 : index
    %swap3A_36 = arith.constant 0 : index
    %swap3A_37 = arith.constant 0 : index
    %swap3A_38 = vector.load %arg4[%swap3A, %swap3A_36, %swap3A_37] : memref<4x512x512xf32, #tpu.memory_space<vmem>>, vector<1x512x512xf32>
    %swap3A_39 = vector.shape_cast %swap3A_38 : vector<1x512x512xf32> to vector<512x512xf32>
    %swap3A_40 = vector.shape_cast %add3A_35 : vector<512x512xf32> to vector<1x512x512xf32>
    tpu.vector_store %arg4[%swap3A, %swap3A_36, %swap3A_37], %swap3A_40 {strides = array<i32>} : memref<4x512x512xf32, #tpu.memory_space<vmem>>, vector<1x512x512xf32>,
    %mul3A_41 = arith.constant 4 : i32
    %mul3A_42 = arith.muli %arg0, %mul3A_41 : i32
    %add3A_43 = arith.constant 1 : i32
    %add3A_44 = arith.addi %mul3A_42, %add3A_43 : i32
    %jit3A_45 = arith.constant 3 : i32
    %div3A_46 = arith.divsi %add3A_44, %jit3A_45 : i32
    %sign3A_47 = arith.constant 0 : i32
    %sign3A_48 = arith.cmpi sgt, %add3A_44, %sign3A_47 : i32
    %sign3A_49 = arith.extui %sign3A_48 : i1 to i32
    %sign3A_50 = arith.constant 0 : i32
    %sign3A_51 = arith.cmpi slt, %add3A_44, %sign3A_50 : i32
    %sign3A_52 = arith.extui %sign3A_51 : i1 to i32
    %sign3A_53 = arith.subi %sign3A_49, %sign3A_52 : i32
    %sign3A_54 = arith.constant 0 : i32
    %sign3A_55 = arith.cmpi sgt, %jit3A_45, %sign3A_54 : i32
    %sign3A_56 = arith.extui %sign3A_55 : i1 to i32
    %sign3A_57 = arith.constant 0 : i32
    %sign3A_58 = arith.cmpi slt, %jit3A_45, %sign3A_57 : i32
    %sign3A_59 = arith.extui %sign3A_58 : i1 to i32
    %sign3A_60 = arith.subi %sign3A_56, %sign3A_59 : i32
    %ne3A_61 = arith.cmpi ne, %sign3A_53, %sign3A_60 : i32
    %rem3A_62 = arith.remsi %add3A_44, %jit3A_45 : i32
    %ne3A_63 = arith.constant 0 : i32
    %ne3A_64 = arith.cmpi ne, %rem3A_62, %ne3A_63 : i32
    %and3A_65 = arith.andi %ne3A_61, %ne3A_64 : i1
    %sub3A_66 = arith.constant 1 : i32
    %sub3A_67 = arith.subi %div3A_46, %sub3A_66 : i32
    %select_n3A_68 = arith.select %and3A_65, %sub3A_67, %div3A_46 : i32
    %mul3A_69 = arith.constant 3 : i32
    %mul3A_70 = arith.muli %mul3A_69, %select_n3A_68 : i32
    %sub3A_71 = arith.subi %add3A_44, %mul3A_70 : i32
    %mul3A_72 = arith.constant 32 : i32
    %mul3A_73 = arith.muli %sub3A_71, %mul3A_72 : i32
    %add3A_74 = arith.addi %mul3A_73, %select_n3A_68 : i32
    %get3A_75 = arith.constant 1 : index
    %get3A_76 = arith.constant 0 : index
    %get3A_77 = arith.constant 0 : index
    %get3A_78 = vector.load %arg3[%get3A_75, %get3A_76, %get3A_77] : memref<4x512x512xf32, #tpu.memory_space<vmem>>, vector<1x512x512xf32>
    %get3A_79 = vector.shape_cast %get3A_78 : vector<1x512x512xf32> to vector<512x512xf32>
    %get3A_80 = arith.index_cast %add3A_74 : i32 to index
    %get3A_81 = memref.load %arg1[%get3A_80] : memref<96xf32, #tpu.memory_space<smem>>
    %mul3A_82 = vector.broadcast %get3A_81 : f32 to vector<512x512xf32>
    %mul3A_83 = arith.mulf %get3A_79, %mul3A_82 : vector<512x512xf32>
    %get3A_84 = arith.index_cast %add3A_74 : i32 to index
    %get3A_85 = memref.load %arg2[%get3A_84] : memref<96xf32, #tpu.memory_space<smem>>
    %add3A_86 = vector.broadcast %get3A_85 : f32 to vector<512x512xf32>
    %add3A_87 = arith.addf %mul3A_83, %add3A_86 : vector<512x512xf32>
    %swap3A_88 = arith.constant 1 : index
    %swap3A_89 = arith.constant 0 : index
    %swap3A_90 = arith.constant 0 : index
    %swap3A_91 = vector.load %arg4[%swap3A_88, %swap3A_89, %swap3A_90] : memref<4x512x512xf32, #tpu.memory_space<vmem>>, vector<1x512x512xf32>
    %swap3A_92 = vector.shape_cast %swap3A_91 : vector<1x512x512xf32> to vector<512x512xf32>
    %swap3A_93 = vector.shape_cast %add3A_87 : vector<512x512xf32> to vector<1x512x512xf32>
    tpu.vector_store %arg4[%swap3A_88, %swap3A_89, %swap3A_90], %swap3A_93 {strides = array<i32>} : memref<4x512x512xf32, #tpu.memory_space<vmem>>, vector<1x512x512xf32>,
    %mul3A_94 = arith.constant 4 : i32
    %mul3A_95 = arith.muli %arg0, %mul3A_94 : i32
    %add3A_96 = arith.constant 2 : i32
    %add3A_97 = arith.addi %mul3A_95, %add3A_96 : i32
    %jit3A_98 = arith.constant 3 : i32
    %div3A_99 = arith.divsi %add3A_97, %jit3A_98 : i32
    %sign3A_100 = arith.constant 0 : i32
    %sign3A_101 = arith.cmpi sgt, %add3A_97, %sign3A_100 : i32
    %sign3A_102 = arith.extui %sign3A_101 : i1 to i32
    %sign3A_103 = arith.constant 0 : i32
    %sign3A_104 = arith.cmpi slt, %add3A_97, %sign3A_103 : i32
    %sign3A_105 = arith.extui %sign3A_104 : i1 to i32
    %sign3A_106 = arith.subi %sign3A_102, %sign3A_105 : i32
    %sign3A_107 = arith.constant 0 : i32
    %sign3A_108 = arith.cmpi sgt, %jit3A_98, %sign3A_107 : i32
    %sign3A_109 = arith.extui %sign3A_108 : i1 to i32
    %sign3A_110 = arith.constant 0 : i32
    %sign3A_111 = arith.cmpi slt, %jit3A_98, %sign3A_110 : i32
    %sign3A_112 = arith.extui %sign3A_111 : i1 to i32
    %sign3A_113 = arith.subi %sign3A_109, %sign3A_112 : i32
    %ne3A_114 = arith.cmpi ne, %sign3A_106, %sign3A_113 : i32
    %rem3A_115 = arith.remsi %add3A_97, %jit3A_98 : i32
    %ne3A_116 = arith.constant 0 : i32
    %ne3A_117 = arith.cmpi ne, %rem3A_115, %ne3A_116 : i32
    %and3A_118 = arith.andi %ne3A_114, %ne3A_117 : i1
    %sub3A_119 = arith.constant 1 : i32
    %sub3A_120 = arith.subi %div3A_99, %sub3A_119 : i32
    %select_n3A_121 = arith.select %and3A_118, %sub3A_120, %div3A_99 : i32
    %mul3A_122 = arith.constant 3 : i32
    %mul3A_123 = arith.muli %mul3A_122, %select_n3A_121 : i32
    %sub3A_124 = arith.subi %add3A_97, %mul3A_123 : i32
    %mul3A_125 = arith.constant 32 : i32
    %mul3A_126 = arith.muli %sub3A_124, %mul3A_125 : i32
    %add3A_127 = arith.addi %mul3A_126, %select_n3A_121 : i32
    %get3A_128 = arith.constant 2 : index
    %get3A_129 = arith.constant 0 : index
    %get3A_130 = arith.constant 0 : index
    %get3A_131 = vector.load %arg3[%get3A_128, %get3A_129, %get3A_130] : memref<4x512x512xf32, #tpu.memory_space<vmem>>, vector<1x512x512xf32>
    %get3A_132 = vector.shape_cast %get3A_131 : vector<1x512x512xf32> to vector<512x512xf32>
    %get3A_133 = arith.index_cast %add3A_127 : i32 to index
    %get3A_134 = memref.load %arg1[%get3A_133] : memref<96xf32, #tpu.memory_space<smem>>
    %mul3A_135 = vector.broadcast %get3A_134 : f32 to vector<512x512xf32>
    %mul3A_136 = arith.mulf %get3A_132, %mul3A_135 : vector<512x512xf32>
    %get3A_137 = arith.index_cast %add3A_127 : i32 to index
    %get3A_138 = memref.load %arg2[%get3A_137] : memref<96xf32, #tpu.memory_space<smem>>
    %add3A_139 = vector.broadcast %get3A_138 : f32 to vector<512x512xf32>
    %add3A_140 = arith.addf %mul3A_136, %add3A_139 : vector<512x512xf32>
    %swap3A_141 = arith.constant 2 : index
    %swap3A_142 = arith.constant 0 : index
    %swap3A_143 = arith.constant 0 : index
    %swap3A_144 = vector.load %arg4[%swap3A_141, %swap3A_142, %swap3A_143] : memref<4x512x512xf32, #tpu.memory_space<vmem>>, vector<1x512x512xf32>
    %swap3A_145 = vector.shape_cast %swap3A_144 : vector<1x512x512xf32> to vector<512x512xf32>
    %swap3A_146 = vector.shape_cast %add3A_140 : vector<512x512xf32> to vector<1x512x512xf32>
    tpu.vector_store %arg4[%swap3A_141, %swap3A_142, %swap3A_143], %swap3A_146 {strides = array<i32>} : memref<4x512x512xf32, #tpu.memory_space<vmem>>, vector<1x512x512xf32>,
    %mul3A_147 = arith.constant 4 : i32
    %mul3A_148 = arith.muli %arg0, %mul3A_147 : i32
    %add3A_149 = arith.constant 3 : i32
    %add3A_150 = arith.addi %mul3A_148, %add3A_149 : i32
    %jit3A_151 = arith.constant 3 : i32
    %div3A_152 = arith.divsi %add3A_150, %jit3A_151 : i32
    %sign3A_153 = arith.constant 0 : i32
    %sign3A_154 = arith.cmpi sgt, %add3A_150, %sign3A_153 : i32
    %sign3A_155 = arith.extui %sign3A_154 : i1 to i32
    %sign3A_156 = arith.constant 0 : i32
    %sign3A_157 = arith.cmpi slt, %add3A_150, %sign3A_156 : i32
    %sign3A_158 = arith.extui %sign3A_157 : i1 to i32
    %sign3A_159 = arith.subi %sign3A_155, %sign3A_158 : i32
    %sign3A_160 = arith.constant 0 : i32
    %sign3A_161 = arith.cmpi sgt, %jit3A_151, %sign3A_160 : i32
    %sign3A_162 = arith.extui %sign3A_161 : i1 to i32
    %sign3A_163 = arith.constant 0 : i32
    %sign3A_164 = arith.cmpi slt, %jit3A_151, %sign3A_163 : i32
    %sign3A_165 = arith.extui %sign3A_164 : i1 to i32
    %sign3A_166 = arith.subi %sign3A_162, %sign3A_165 : i32
    %ne3A_167 = arith.cmpi ne, %sign3A_159, %sign3A_166 : i32
    %rem3A_168 = arith.remsi %add3A_150, %jit3A_151 : i32
    %ne3A_169 = arith.constant 0 : i32
    %ne3A_170 = arith.cmpi ne, %rem3A_168, %ne3A_169 : i32
    %and3A_171 = arith.andi %ne3A_167, %ne3A_170 : i1
    %sub3A_172 = arith.constant 1 : i32
    %sub3A_173 = arith.subi %div3A_152, %sub3A_172 : i32
    %select_n3A_174 = arith.select %and3A_171, %sub3A_173, %div3A_152 : i32
    %mul3A_175 = arith.constant 3 : i32
    %mul3A_176 = arith.muli %mul3A_175, %select_n3A_174 : i32
    %sub3A_177 = arith.subi %add3A_150, %mul3A_176 : i32
    %mul3A_178 = arith.constant 32 : i32
    %mul3A_179 = arith.muli %sub3A_177, %mul3A_178 : i32
    %add3A_180 = arith.addi %mul3A_179, %select_n3A_174 : i32
    %get3A_181 = arith.constant 3 : index
    %get3A_182 = arith.constant 0 : index
    %get3A_183 = arith.constant 0 : index
    %get3A_184 = vector.load %arg3[%get3A_181, %get3A_182, %get3A_183] : memref<4x512x512xf32, #tpu.memory_space<vmem>>, vector<1x512x512xf32>
    %get3A_185 = vector.shape_cast %get3A_184 : vector<1x512x512xf32> to vector<512x512xf32>
    %get3A_186 = arith.index_cast %add3A_180 : i32 to index
    %get3A_187 = memref.load %arg1[%get3A_186] : memref<96xf32, #tpu.memory_space<smem>>
    %mul3A_188 = vector.broadcast %get3A_187 : f32 to vector<512x512xf32>
    %mul3A_189 = arith.mulf %get3A_185, %mul3A_188 : vector<512x512xf32>
    %get3A_190 = arith.index_cast %add3A_180 : i32 to index
    %get3A_191 = memref.load %arg2[%get3A_190] : memref<96xf32, #tpu.memory_space<smem>>
    %add3A_192 = vector.broadcast %get3A_191 : f32 to vector<512x512xf32>
    %add3A_193 = arith.addf %mul3A_189, %add3A_192 : vector<512x512xf32>
    %swap3A_194 = arith.constant 3 : index
    %swap3A_195 = arith.constant 0 : index
    %swap3A_196 = arith.constant 0 : index
    %swap3A_197 = vector.load %arg4[%swap3A_194, %swap3A_195, %swap3A_196] : memref<4x512x512xf32, #tpu.memory_space<vmem>>, vector<1x512x512xf32>
    %swap3A_198 = vector.shape_cast %swap3A_197 : vector<1x512x512xf32> to vector<512x512xf32>
    %swap3A_199 = vector.shape_cast %add3A_193 : vector<512x512xf32> to vector<1x512x512xf32>
    tpu.vector_store %arg4[%swap3A_194, %swap3A_195, %swap3A_196], %swap3A_199 {strides = array<i32>} : memref<4x512x512xf32, #tpu.memory_space<vmem>>, vector<1x512x512xf32>,
    return
  }
  func.func @transform_0(%arg0: i32) -> i32 {
    %c0_i32 = arith.constant 0 : i32
    %c0_i32_0 = arith.constant 0 : i32
    return %c0_i32 : i32
  }
  func.func @transform_1(%arg0: i32) -> i32 {
    %c0_i32 = arith.constant 0 : i32
    %c0_i32_0 = arith.constant 0 : i32
    return %c0_i32 : i32
  }
  func.func @transform_2(%arg0: i32) -> (i32, i32, i32) {
    %c0_i32 = arith.constant 0 : i32
    %c0_i32_0 = arith.constant 0 : i32
    %c0_i32_1 = arith.constant 0 : i32
    return %arg0, %c0_i32, %c0_i32_0 : i32, i32, i32
  }
  func.func @transform_3(%arg0: i32) -> (i32, i32, i32) {
    %c0_i32 = arith.constant 0 : i32
    %c0_i32_0 = arith.constant 0 : i32
    %c0_i32_1 = arith.constant 0 : i32
    return %arg0, %c0_i32, %c0_i32_0 : i32, i32, i32
  }
}

</mosaic_0001>

<sc_bundles>
// kernel: kernel.4.cloned.1.call-start
scs
__scs_entry_jumppad:
0x0: {  	(pc) =	sbr.rel $0x88, $3  }
0x1: {  	(tag) =	ssettag $0x0;
	lr =	simm.s32 $0x1  }
0x2: {  	[smem:$0x3F98] =	sst lr;
	_ =	strace $0xD0000000  }
0x3: {  	_ = 	snop  }
0x4: {  	_ = 	snop  }
0x5: {  	_ = 	snop  }
0x6: {  	_ = 	snop  }
0x7: {  	_ = 	snop  }
__scs_overlays_trampoline_lowered:
0x8: {  	[smem:$0x3FA7] =	sst s0  }
0x9: {  	[smem:$0x3FA8] =	sst s1  }
0xa: {  	[smem:$0x3FA9] =	sst s2  }
0xb: {  	[smem:$0x3FAA] =	sst s3  }
0xc: {  	[smem:$0x3FAB] =	sst s4  }
0xd: {  	[smem:$0x3FAC] =	sst s5  }
0xe: {  	[smem:$0x3FAD] =	sst s6  }
0xf: {  	[smem:$0x3FAE] =	sst s7  }
0x10: {  	[smem:$0x3FAF] =	sst s8  }
0x11: {  	[smem:$0x3FB0] =	sst s9;
	s0 =	simm.s32 @!p0 $0x0  }
0x12: {  	s1 =	sld [smem:$0x3F96];
	s0 =	simm.s32 @p0 $0x1  }
0x13: {  	[smem:$0x3FB1] =	sst s0;
	s0 =	simm.s32 @!p1 $0x0  }
0x14: {  	s2 =	sld [smem:$0x3F95];
	s0 =	simm.s32 @p1 $0x1  }
0x15: {  	[smem:$0x3FB2] =	sst s0;
	s0 =	simm.s32 @!p2 $0x0  }
0x16: {  	s3 =	sld [smem:$0x3FDB];
	s0 =	simm.s32 @p2 $0x1  }
0x17: {  	s4 =	simm.s32 $0x1BF5;
	[smem:$0x3FB4] =	sst s0  }
0x18: {  	s0 =	sld [smem:$0x3F97];
	_ =	swait.ge [sflag:s4], $0x0  }
0x19: {  	s7 =	sld [smem:$0x3F98]  }
0x1a: {  	s8 =	sadd.s32 $0xFFFFE003, lr  }
0x1b: {  	s9 =	sadd.s32 $0xFFFFFEF7, lr;
	s5 =	simm.s32 $0xFFFFFFFF;
	p2 =	slt.u32 s8, $0xFFFFF086  }
0x1c: {  	p1 =	slt.u32 s9, $0xF7A;
	s5 =	simm.s32 @!p2 $0x0  }
0x1d: {  	s5 =	simm.s32 @p1 $0x1;
	p0 =	seq.s32 s7, s2  }
0x1e: {  	s7 =	smul.u32 @!p0 $0xF7A, s2;
	p2 =	seq.s32 @!p0 s5, $0x0  }
0x1f: {  	s9 =	smul.u32 $0xF7A, s1;
	s8 =	simm.s32 @!p0 $0x1BF5;
	p2 =	por !p2, p0  }
0x20: {  	[sflag:s8] =	ssyncset.s32 @!p0 $0xFFFFF086;
	s6 =	sadd.s32 @!p0 s3, s7;
	s7 =	simm.s32 @!p0 $0x108  }
0x21: {  	s3 =	sadd.s32 s3, s9;
	s6 =	sadd.s32 @!p0 $0x88, s6;
	s7 =	simm.s32 @p2 $0x1082  }
0x22: {  	[simem:s7], [sflag:s8] =	dma.local @!p0 [hbm:s6], $0xF7A  }
0x23: {  	s9 =	sor.u32 $0xD0000000, s2;
	s6 =	simm.s32 $0x108;
	_ =	swait.ge @!p0 [sflag:s8], $0x0  }
0x24: {  	s3 =	sadd.s32 $0x88, s3;
	s6 =	simm.s32 @!p1 $0x1082;
	[sflag:s4] =	ssyncset.s32 $0xFFFFF086  }
0x25: {  	[simem:s6], [sflag:s4] =	dma.local [hbm:s3], $0xF7A  }
0x26: {  	[smem:$0x3F98] =	sst s1;
	(tag) =	ssettag s2;
	_ =	strace s9  }
0x27: {  	s1 =	sld [smem:$0x3FA8]  }
0x28: {  	s2 =	sld [smem:$0x3FA9]  }
0x29: {  	s4 =	sld [smem:$0x3FAB]  }
0x2a: {  	p0 =	seq.s32 s5, $0x0;
	s5 =	sld [smem:$0x3FAC]  }
0x2b: {  	s6 =	sld [smem:$0x3FAD]  }
0x2c: {  	s7 =	sld [smem:$0x3FAE]  }
0x2d: {  	s3 =	simm.s32 $0x108;
	s8 =	sld [smem:$0x3FAF]  }
0x2e: {  	s3 =	simm.s32 @!p0 $0x1082;
	s9 =	sld [smem:$0x3FB0]  }
0x2f: {  	lr =	sadd.s32 s0, s3;
	s0 =	sld [smem:$0x3FA7]  }
0x30: {  	s3 =	sld [smem:$0x3FAA]  }
0x31: {  	[smem:$0x3FB3] =	sst s10  }
0x32: {  	s10 =	sld [smem:$0x3FB1];
	_ =	sdelay $0x3  }
0x33: {  	p0 =	seq.s32 s10, $0x1;
	s10 =	sld [smem:$0x3FB3];
	_ =	sdelay $0x3  }
0x34: {  	[smem:$0x3FB3] =	sst s10  }
0x35: {  	s10 =	sld [smem:$0x3FB2];
	_ =	sdelay $0x3  }
0x36: {  	p1 =	seq.s32 s10, $0x1;
	s10 =	sld [smem:$0x3FB3];
	_ =	sdelay $0x3  }
0x37: {  	[smem:$0x3FB3] =	sst s10  }
0x38: {  	s10 =	sld [smem:$0x3FB4]  }
0x39: {  	_ = 	snop;
	(pc) =	sbr.ind lr, $3  }
0x3a: {  	_ = 	snop  }
0x3b: {  	_ = 	snop  }
0x3c: {  	p2 =	seq.s32 s10, $0x1;
	s10 =	sld [smem:$0x3FB3]  }
0x3d: {  	_ =	shalt  }
0x3e: {  	_ =	shalt  }
0x3f: {  	_ =	shalt  }
0x40: {  	_ =	shalt  }
0x41: {  	_ =	shalt  }
0x42: {  	_ =	shalt  }
0x43: {  	_ =	shalt  }
0x44: {  	_ =	shalt  }
0x45: {  	_ =	shalt  }
0x46: {  	_ =	shalt  }
0x47: {  	_ =	shalt  }
0x48: {  	_ =	shalt  }
0x49: {  	_ =	shalt  }
0x4a: {  	_ =	shalt  }
0x4b: {  	_ =	shalt  }
0x4c: {  	_ =	shalt  }
0x4d: {  	_ =	shalt  }
0x4e: {  	_ =	shalt  }
0x4f: {  	_ =	shalt  }
0x50: {  	_ =	shalt  }
0x51: {  	_ =	shalt  }
0x52: {  	_ =	shalt  }
0x53: {  	_ =	shalt  }
0x54: {  	_ =	shalt  }
0x55: {  	_ =	shalt  }
0x56: {  	_ =	shalt  }
0x57: {  	_ =	shalt  }
0x58: {  	_ =	shalt  }
0x59: {  	_ =	shalt  }
0x5a: {  	_ =	shalt  }
0x5b: {  	_ =	shalt  }
0x5c: {  	_ =	shalt  }
0x5d: {  	_ =	shalt  }
0x5e: {  	_ =	shalt  }
0x5f: {  	_ =	shalt  }
0x60: {  	_ =	shalt  }
0x61: {  	_ =	shalt  }
0x62: {  	_ =	shalt  }
0x63: {  	_ =	shalt  }
0x64: {  	_ =	shalt  }
0x65: {  	_ =	shalt  }
0x66: {  	_ =	shalt  }
0x67: {  	_ =	shalt  }
0x68: {  	_ =	shalt  }
0x69: {  	_ =	shalt  }
0x6a: {  	_ =	shalt  }
0x6b: {  	_ =	shalt  }
0x6c: {  	_ =	shalt  }
0x6d: {  	_ =	shalt  }
0x6e: {  	_ =	shalt  }
0x6f: {  	_ =	shalt  }
0x70: {  	_ =	shalt  }
0x71: {  	_ =	shalt  }
0x72: {  	_ =	shalt  }
0x73: {  	_ =	shalt  }
0x74: {  	_ =	shalt  }
0x75: {  	_ =	shalt  }
0x76: {  	_ =	shalt  }
0x77: {  	_ =	shalt  }
0x78: {  	_ =	shalt  }
0x79: {  	_ =	shalt  }
0x7a: {  	_ =	shalt  }
0x7b: {  	_ =	shalt  }
0x7c: {  	_ =	shalt  }
0x7d: {  	_ =	shalt  }
0x7e: {  	_ =	shalt  }
0x7f: {  	_ =	shalt  }
0x80: {  	_ =	shalt  }
0x81: {  	_ =	shalt  }
0x82: {  	_ =	shalt  }
0x83: {  	_ =	shalt  }
0x84: {  	_ =	shalt  }
0x85: {  	_ =	shalt  }
0x86: {  	_ =	shalt  }
0x87: {  	_ =	shalt  }
.Lfunc_end0:
.L_simem_size_0:
called_computation_lowered:
.L_overlay_start_0:
0x88: {  	s2 =	sld [smem:$0x3FD9]  }
0x89: {  	s3 =	sld [smem:$0x3FFE];
	_ =	sdelay $0x1  }
0x8a: {  	s1 =	srdreg.scid  }
0x8b: {  	s0 =	sand.u32 $0x1, s1  }
0x8c: {  	s17 =	sshll.u32 s0, $0xA;
	s2 =	sadd.s32 s3, s2  }
0x8d: {  	s2 =	sadd.s32 s2, s17  }
0x8e: {  	[smem:$0x3FBF] =	sst s2  }
0x8f: {  	_ = 	snop  }
0x90: {  	s2 =	sld [smem:$0x3FC8]  }
0x91: {  	s18 =	sld [smem:$0x3FC7]  }
0x92: {  	s4 =	sld [smem:$0x3FD0];
	(tm) =	ssettm $0x1  }
0x93: {  	s5 =	sld [smem:$0x3FFB];
	_ =	sdelay $0x3  }
0x94: {  	_ =	strace s5  }
0x95: {  	s5 =	sld [smem:$0x3FFC];
	_ =	sdelay $0x3  }
0x96: {  	_ =	strace s5  }
0x97: {  	s5 =	sld [smem:$0x3FFD];
	_ =	sdelay $0x3  }
0x98: {  	_ =	strace s5  }
0x99: {  	_ =	strace $0x8FFFFFFF  }
0x9a: {  	s19 =	sld [smem:$0x3FDB];
	_ =	sdelay $0x1  }
0x9b: {  	s6 =	simm.s32 $_scs_section_size  }
0x9c: {  	s7 =	simm.s32 $_size__tile_overlayer_lowered;
	s8 =	simm.s32 $_tile_overlayer_lowered  }
0x9d: {  	s22 =	simm.s32 $0x1BFF;
	s21 =	sshll.u32 s8, $0x1;
	s5 =	sadd.s32 s6, s19  }
0x9e: {  	s9 =	simm.s32 $0x0;
	s20 =	sshll.u32 s7, $0x1;
	s7 =	sadd.s32 s21, s5  }
0x9f: {  	[timem:s9], [sflag:s22] =	dma.local [hbm:s7], s20  }
0xa0: {  	_ =	swait.ge [sflag:s22], s20  }
0xa1: {  	s6 =	ssub.s32 $0x0, s20;
	[sflag:s22] =	ssyncset.done $0x0  }
0xa2: {  	[sflag:s22] =	ssyncadd.s32 s6;
	_ =	sdelay $0x1  }
0xa3: {  	s23 =	simm.s32 $0x1B8B  }
0xa4: {  	_ =	swait.ge [sflag:s23], $0x1  }
0xa5: {  	[sflag:s23] =	ssyncset.done $0x0  }
0xa6: {  	s25 =	simm.s32 $0x1B8E;
	s24 =	sld [smem:$0x3FFE];
	[sflag:s23] =	ssyncadd.s32 $0xFFFFFFFF  }
0xa7: {  	s26 =	simm.s32 $execute0_lowered;
	[smem:$0x3FD2] =	sst s25  }
0xa8: {  	s7 =	sshll.u32 s26, $0x1;
	_ =	strace $0x80000046;
	[dreg:$0x1] =	wrdreg $0xFFFFFFFF  }
0xa9: {  	s28 =	simm.s32 $_size_execute0_lowered;
	s5 =	sadd.s32 s5, s7;
	[dreg:$0x0] =	wrdreg $0x0  }
0xaa: {  	s7 =	sshll.u32 s28, $0x1;
	[dreg:$0x2] =	wrdreg s5  }
0xab: {  	[dreg:$0x3] =	wrdreg s7  }
0xac: {  	[dreg:$0x4] =	wrdreg $0xC0  }
0xad: {  	_ =	task [dreg:s9], $0x5FFFF  }
0xae: {  	[dreg:$0x1] =	wrdreg $0xFFFFFFFF  }
0xaf: {  	[dreg:$0x0] =	wrdreg $0x60  }
0xb0: {  	[dreg:$0x2] =	wrdreg s2  }
0xb1: {  	[dreg:$0x3] =	wrdreg s18  }
0xb2: {  	[dreg:$0x4] =	wrdreg s24  }
0xb3: {  	[dreg:$0x5] =	wrdreg s4  }
0xb4: {  	[dreg:$0x6] =	wrdreg $0x9  }
0xb5: {  	_ =	task.clear_ibuf [dreg:s9], $0x7FFFF;
	_ =	strace $0x90000046  }
0xb6: {  	s29 =	simm.s32 $0x9;
	_ =	strace $0x80000048  }
0xb7: {  	_ =	swait.ge [sflag:s29], $0x1  }
0xb8: {  	[sflag:s29] =	ssyncadd.s32 $0xFFFFFFFF  }
0xb9: {  	_ =	strace $0x90000048  }
0xba: {  	_ =	sfence  }
0xbb: {  	s30 =	sld [smem:$0x0];
	_ =	sdelay $0x2  }
0xbc: {  	s31 =	sshll.u32 s1, $0xD;
	s1 =	sshrl.u32 s1, $0x2  }
0xbd: {  	s3 =	sand.u32 $0x4000, s31;
	s1 =	sadd.s32 s1, s30  }
0xbe: {  	s0 =	sor.u32 s3, s0;
	s1 =	sshll.u32 s1, $0x11  }
0xbf: {  	s0 =	sor.u32 s1, s0  }
0xc0: {  	s0 =	sadd.s32 $0x8F2B, s0  }
0xc1: {  	[sflag:s0] =	ssyncadd.remote.s32 $0x1  }
0xc2: {  	_ =	sfence.sel $0xFFFF  }
0xc3: {  	[dreg:$0x0] =	wrdreg $0xFFFFFFFF;
	(pc) =	sbr.abs _section_cstart, $3  }
0xc4: {  	[dreg:$0x1] =	wrdreg $0xFFFFFFFF  }
0xc5: {  	_ =	task.clear_ibuf [dreg:s9], $0x2FFFF;
	_ =	strace $0x9FFFFFFF  }
0xc6: {  	(tm) =	ssettm $0x7FFFFFFF  }
0xc7: {  	_ =	shalt  }
tec
execute0_lowered:
.L_overlay_start_1:
0x0: {  	(tag) =	ssettag $0x1  }
0x1: {  	s1 =	srdreg.scid  }
0x2: {  	s9 =	sand.u32 $0x1, s1;
	s1 =	stileid.u32  }
0x3: {  	s5 =	sor.u32 s1, s9  }
0x4: {  	p0 =	sne.s32 s5, $0x0  }
.Ltmp0:
0x5: {  	s0 =	rddreg [dreg:$0x0];
	(pc) =	sbr.rel @p0 .LBB2_3-.Ltmp0, $4  }
0x6: {  	s2 =	rddreg [dreg:$0x1]  }
0x7: {  	s11 =	rddreg [dreg:$0x2]  }
0x8: {  	s4 =	rddreg [dreg:$0x3]  }
0x9: {  	s3 =	rddreg [dreg:$0x4];
	_ =	strace $0x80000047  }
0xa: {  	s5 =	sadd.s32 $0x2600, s11;
	s6 =	sadd.s32 $0x2800, s11  }
0xb: {  	s7 =	sadd.s32 $0x1600, s11;
	s8 =	sadd.s32 $0x1E00, s11;
	s12 =	ssub.s32 $0x2, s9  }
0xc: {  	s9 =	sadd.s32 $0x7A2800, s11;
	s10 =	sadd.s32 $0x2A00, s11;
	s11 =	sadd.s32 $0x2C00, s11  }
0xd: {  	s14 =	simm.s32 $0x2;
	s15 =	simm.s32 $0x80;
	s16 =	simm.s32 $0x60  }
0xe: {  	s17 =	simm.s32 $0x100;
	s18 =	simm.s32 $0x280;
	s19 =	simm.s32 $0x180  }
0xf: {  	s20 =	simm.s32 $0x300;
	s21 =	simm.s32 $0x200;
	s22 =	simm.s32 $0x380  }
0x10: {  	s23 =	simm.s32 $0x400;
	s24 =	simm.s32 $0x480;
	s25 =	simm.s32 $0x500  }
0x11: {  	s26 =	simm.s32 $0x1;
	s28 =	simm.s32 $0x580;
	s13 =	sshrl.u32 s12, $0x1  }
0x12: {  	s29 =	simm.s32 $0x600;
	s12 =	ssub.s32 s12, s13;
	s13 =	simm.s32 $0x0  }
.LBB2_2:
0x13: {  	[tilespmem:s13], [sflag:$0x2] =	stream.linear.gather [hbm4b:s0+s13], $0x80, $0x38;
	[tilespmem:$0x680] =	vst v63  }
0x14: {  	_ =	swait.ge [sflag:s14], $0x80  }
0x15: {  	[sflag:s14] =	ssyncset.done $0x0  }
0x16: {  	[sflag:s14] =	ssyncadd.s32 $0xFFFFFF80  }
0x17: {  	[tilespmem:s15], [sflag:$0x2] =	stream.linear.gather [hbm4b:s2+s13], $0x80, $0x38;
	[tilespmem:$0x680] =	vst v63  }
0x18: {  	_ =	swait.ge [sflag:s14], $0x80  }
0x19: {  	[sflag:s14] =	ssyncset.done $0x0  }
0x1a: {  	[sflag:s14] =	ssyncadd.s32 $0xFFFFFF80  }
0x1b: {  	v0 =	vld [tilespmem:$0x0]  }
0x1c: {  	v1 =	vld [tilespmem:$0x80]  }
0x1d: {  	v2 =	vld [tilespmem:$0x10]  }
0x1e: {  	v3 =	vld [tilespmem:$0x90]  }
0x1f: {  	v5 =	vld [tilespmem:$0x0]  }
0x20: {  	v18 =	vld [tilespmem:$0x80]  }
0x21: {  	v7 =	vld [tilespmem:$0x10]  }
0x22: {  	v23 =	vld [tilespmem:$0x90];
	v4 =	vmul.u32 $0x1388, v0;
	v0 =	vmul.u32 $0x3, v0  }
0x23: {  	v25 =	vld [tilespmem:$0x0];
	v6 =	vmul.u32 $0x3, v1  }
0x24: {  	v30 =	vld [tilespmem:$0x80];
	v20 =	vmul.u32 $0x1388, v2;
	v2 =	vmul.u32 $0x3, v2;
	[tilespmem:$0x100] =	vst v0  }
0x25: {  	v32 =	vld [tilespmem:$0x10];
	v21 =	vmul.u32 $0x3, v3;
	v24 =	vmul.u32 $0x3, v5;
	[tilespmem:$0x180] =	vst v6  }
0x26: {  	v38 =	vld [tilespmem:$0x90];
	v26 =	vmul.u32 $0x3, v18;
	[tilespmem:$0x110] =	vst v2  }
0x27: {  	v31 =	vmul.u32 $0x3, v7;
	[tilespmem:$0x190] =	vst v21;
	v27 =	vadd.s32 $0x1, v24  }
0x28: {  	v34 =	vmul.u32 $0x3, v23;
	v0 =	vadd.s32 $0x1, v26;
	[tilespmem:$0x120] =	vst v27  }
0x29: {  	v22 =	vmul.u32 $0x1388, v5;
	v40 =	vmul.u32 $0x3, v25;
	v35 =	vadd.s32 $0x1, v31;
	[tilespmem:$0x1A0] =	vst v0  }
0x2a: {  	v29 =	vmul.u32 $0x1388, v7;
	v42 =	vmul.u32 $0x3, v30;
	v39 =	vadd.s32 $0x1, v34;
	[tilespmem:$0x130] =	vst v35  }
0x2b: {  	v47 =	vmul.u32 $0x3, v32;
	v49 =	vmul.u32 $0x3, v38;
	v43 =	vadd.s32 $0x2, v40;
	[tilespmem:$0x1B0] =	vst v39  }
0x2c: {  	v37 =	vmul.u32 $0x1388, v25;
	v45 =	vmul.u32 $0x1388, v32;
	v46 =	vadd.s32 $0x2, v42;
	[tilespmem:$0x140] =	vst v43  }
0x2d: {  	v1 =	vadd.s32 v1, v4;
	v50 =	vadd.s32 $0x2, v47;
	v52 =	vadd.s32 $0x2, v49;
	[tilespmem:$0x1C0] =	vst v46  }
0x2e: {  	v19 =	vmul.u32 $0x3, v1;
	v1 =	vadd.s32 v3, v20;
	v3 =	vadd.s32 v18, v22;
	[tilespmem:$0x150] =	vst v50  }
0x2f: {  	[tilespmem:$0x1D0] =	vst v52;
	v1 =	vmul.u32 $0x3, v1;
	v28 =	vmul.u32 $0x3, v3;
	v3 =	vadd.s32 v23, v29  }
0x30: {  	[tilespmem:$0x200] =	vst v19;
	v36 =	vmul.u32 $0x3, v3;
	v3 =	vadd.s32 v30, v37  }
0x31: {  	[tilespmem:$0x210] =	vst v1;
	v33 =	vadd.s32 $0x1, v28;
	v44 =	vmul.u32 $0x3, v3;
	v3 =	vadd.s32 v38, v45  }
0x32: {  	[tilespmem:$0x220] =	vst v33;
	v41 =	vadd.s32 $0x1, v36;
	v51 =	vmul.u32 $0x3, v3  }
0x33: {  	[tilespmem:$0x230] =	vst v41;
	v48 =	vadd.s32 $0x2, v44  }
0x34: {  	[tilespmem:$0x240] =	vst v48;
	v53 =	vadd.s32 $0x2, v51  }
0x35: {  	[tilespmem:$0x250] =	vst v53  }
0x36: {  	[tilespmem:s18], [sflag:$0x1] =	stream.indirect.gather [hbm4b:s5+s16], $0x1, s17, s16, $0xb8;
	[tilespmem:$0x680] =	vst v63  }
0x37: {  	_ = 	snop  }
0x38: {  	[tilespmem:s20], [sflag:$0x1] =	stream.indirect.gather [hbm4b:s7+s16], $0x1, s19, s16, $0xb8;
	[tilespmem:$0x680] =	vst v63  }
0x39: {  	_ = 	snop  }
0x3a: {  	[tilespmem:s22], [sflag:$0x1] =	stream.indirect.gather [hbm4b:s4+s16], $0x1, s21, s16, $0xb8;
	[tilespmem:$0x680] =	vst v63  }
0x3b: {  	_ = 	snop  }
0x3c: {  	[tilespmem:s23], [sflag:$0x1] =	stream.indirect.gather [hbm4b:s6+s16], $0x1, s17, s16, $0xb8;
	[tilespmem:$0x680] =	vst v63  }
0x3d: {  	_ = 	snop  }
0x3e: {  	[tilespmem:s24], [sflag:$0x1] =	stream.indirect.gather [hbm4b:s8+s16], $0x1, s19, s16, $0xb8;
	[tilespmem:$0x680] =	vst v63  }
0x3f: {  	_ = 	snop  }
0x40: {  	[tilespmem:s25], [sflag:$0x1] =	stream.indirect.gather [hbm4b:s9+s16], $0x1, s21, s16, $0xb8;
	[tilespmem:$0x680] =	vst v63  }
0x41: {  	_ =	swait.ge [sflag:s26], $0x60  }
0x42: {  	[sflag:s26] =	ssyncset.done $0x0  }
0x43: {  	[sflag:s26] =	ssyncadd.s32 $0xFFFFFFA0  }
0x44: {  	_ =	swait.ge [sflag:s26], $0x60  }
0x45: {  	[sflag:s26] =	ssyncset.done $0x0  }
0x46: {  	[sflag:s26] =	ssyncadd.s32 $0xFFFFFFA0  }
0x47: {  	_ =	swait.ge [sflag:s26], $0x60  }
0x48: {  	[sflag:s26] =	ssyncset.done $0x0  }
0x49: {  	[sflag:s26] =	ssyncadd.s32 $0xFFFFFFA0  }
0x4a: {  	_ =	swait.ge [sflag:s26], $0x60  }
0x4b: {  	[sflag:s26] =	ssyncset.done $0x0  }
0x4c: {  	[sflag:s26] =	ssyncadd.s32 $0xFFFFFFA0  }
0x4d: {  	_ =	swait.ge [sflag:s26], $0x60  }
0x4e: {  	[sflag:s26] =	ssyncset.done $0x0  }
0x4f: {  	[sflag:s26] =	ssyncadd.s32 $0xFFFFFFA0  }
0x50: {  	_ =	swait.ge [sflag:s26], $0x60  }
0x51: {  	[sflag:s26] =	ssyncset.done $0x0  }
0x52: {  	[sflag:s26] =	ssyncadd.s32 $0xFFFFFFA0  }
0x53: {  	v54 =	vld [tilespmem:$0x280]  }
0x54: {  	v55 =	vld [tilespmem:$0x300]  }
0x55: {  	v56 =	vld [tilespmem:$0x380]  }
0x56: {  	v57 =	vld [tilespmem:$0x400]  }
0x57: {  	v58 =	vld [tilespmem:$0x480]  }
0x58: {  	v59 =	vld [tilespmem:$0x500]  }
0x59: {  	v60 =	vld [tilespmem:$0x290]  }
0x5a: {  	v61 =	vld [tilespmem:$0x310]  }
0x5b: {  	v8 =	vld [tilespmem:$0x390]  }
0x5c: {  	v9 =	vld [tilespmem:$0x410]  }
0x5d: {  	v10 =	vld [tilespmem:$0x490]  }
0x5e: {  	v11 =	vld [tilespmem:$0x510]  }
0x5f: {  	v12 =	vld [tilespmem:$0x2A0]  }
0x60: {  	v13 =	vld [tilespmem:$0x320]  }
0x61: {  	v14 =	vld [tilespmem:$0x3A0]  }
0x62: {  	v15 =	vld [tilespmem:$0x420]  }
0x63: {  	v16 =	vld [tilespmem:$0x4A0]  }
0x64: {  	v17 =	vld [tilespmem:$0x520]  }
0x65: {  	v18 =	vld [tilespmem:$0x2B0]  }
0x66: {  	v19 =	vld [tilespmem:$0x330]  }
0x67: {  	v20 =	vld [tilespmem:$0x3B0]  }
0x68: {  	v21 =	vld [tilespmem:$0x430]  }
0x69: {  	v22 =	vld [tilespmem:$0x4B0]  }
0x6a: {  	v23 =	vld [tilespmem:$0x530]  }
0x6b: {  	v24 =	vld [tilespmem:$0x2C0]  }
0x6c: {  	v25 =	vld [tilespmem:$0x340]  }
0x6d: {  	v26 =	vld [tilespmem:$0x3C0]  }
0x6e: {  	v27 =	vld [tilespmem:$0x440]  }
0x6f: {  	v28 =	vld [tilespmem:$0x4C0]  }
0x70: {  	v63 =	vld [tilespmem:$0x540];
	v0 =	vadd.f32 v55, v54;
	v62 =	vmul.f32 $1.000000000e+01, v56  }
0x71: {  	v30 =	vld [tilespmem:$0x2D0];
	v3 =	vadd.f32 v58, v57;
	v29 =	vmul.f32 $1.000000000e+01, v59  }
0x72: {  	v33 =	vld [tilespmem:$0x350];
	v31 =	vadd.f32 v61, v60;
	v32 =	vmul.f32 $1.000000000e+01, v8;
	v0 =	vadd.f32 v62, v0  }
0x73: {  	v36 =	vld [tilespmem:$0x3D0];
	v34 =	vadd.f32 v10, v9;
	v35 =	vmul.f32 $1.000000000e+01, v11;
	v3 =	vadd.f32 v29, v3  }
0x74: {  	v40 =	vld [tilespmem:$0x450];
	v38 =	vadd.f32 v13, v12;
	v39 =	vmul.f32 $1.000000000e+01, v14;
	v37 =	vadd.f32 v32, v31;
	[tilespmem:$0x580] =	vst v0  }
0x75: {  	v44 =	vld [tilespmem:$0x4D0];
	v42 =	vadd.f32 v16, v15;
	v43 =	vmul.f32 $1.000000000e+01, v17;
	v41 =	vadd.f32 v35, v34;
	[tilespmem:$0x600] =	vst v3  }
0x76: {  	v48 =	vld [tilespmem:$0x550];
	v46 =	vadd.f32 v19, v18;
	v47 =	vmul.f32 $1.000000000e+01, v20;
	v45 =	vadd.f32 v39, v38;
	[tilespmem:$0x590] =	vst v37  }
0x77: {  	v50 =	vadd.f32 v22, v21;
	v51 =	vmul.f32 $1.000000000e+01, v23;
	v49 =	vadd.f32 v43, v42;
	[tilespmem:$0x610] =	vst v41  }
0x78: {  	v53 =	vadd.f32 v25, v24;
	v54 =	vmul.f32 $1.000000000e+01, v26;
	v52 =	vadd.f32 v47, v46;
	[tilespmem:$0x5A0] =	vst v45  }
0x79: {  	v56 =	vadd.f32 v28, v27;
	v2 =	vmul.f32 $1.000000000e+01, v63;
	v55 =	vadd.f32 v51, v50;
	[tilespmem:$0x620] =	vst v49  }
0x7a: {  	v58 =	vadd.f32 v33, v30;
	v59 =	vmul.f32 $1.000000000e+01, v36;
	v57 =	vadd.f32 v54, v53;
	[tilespmem:$0x5B0] =	vst v52  }
0x7b: {  	v60 =	vadd.f32 v44, v40;
	v61 =	vmul.f32 $1.000000000e+01, v48;
	v2 =	vadd.f32 v2, v56;
	[tilespmem:$0x630] =	vst v55  }
0x7c: {  	v62 =	vadd.f32 v59, v58;
	[tilespmem:$0x5C0] =	vst v57  }
0x7d: {  	v63 =	vadd.f32 v61, v60;
	[tilespmem:$0x640] =	vst v2  }
0x7e: {  	[tilespmem:$0x5D0] =	vst v62  }
0x7f: {  	[tilespmem:$0x650] =	vst v63  }
0x80: {  	[hbm4b:s10+s13] =	stream.linear.scatter [tilespmem:s28], [sflag:$0x2], $0x80, $0x38;
	[tilespmem:$0x680] =	vst v63  }
0x81: {  	_ =	swait.ge [sflag:s14], $0x80  }
0x82: {  	p0 =	sne.s32 s12, $0x1;
	[sflag:s14] =	ssyncset.done $0x0  }
.Ltmp1:
0x83: {  	[sflag:s14] =	ssyncadd.s32 $0xFFFFFF80;
	(pc) =	sbr.rel @p0 .LBB2_2-.Ltmp1, $4  }
0x84: {  	[hbm4b:s11+s13] =	stream.linear.scatter [tilespmem:s29], [sflag:$0x2], $0x80, $0x38;
	[tilespmem:$0x680] =	vst v63  }
0x85: {  	_ =	swait.ge [sflag:s14], $0x80  }
0x86: {  	[sflag:s14] =	ssyncset.done $0x0  }
0x87: {  	s12 =	sadd.s32 $0xFFFFFFFF, s12;
	[sflag:s14] =	ssyncadd.s32 $0xFFFFFF80  }
.LBB2_3:
0x88: {  	_ =	sfence.sel $0x180000  }
0x89: {  	[bflag:$0x0] =	sbarrier.arrive $0xFFFF  }
0x8a: {  	p0 =	sne.s32 s1, $0x0;
	_ =	strace $0x90000047  }
0x8b: {  	s0 =	sadd.s32 @!p0 $0x100000, s3;
	[bflag:$0x2] =	sbarrier.arrive $0xFFFF  }
0x8c: {  	[sflag:s0] =	ssyncadd.tile.s32 @!p0 $0x1;
	_ =	shalt  }
.Lfunc_end2:
_tile_overlayer_lowered:
.L_overlay_start_2:
0x8d: {  	(tag) =	ssettag $0x2  }
0x8e: {  	s0 =	rddreg [dreg:$0x0];
	s2 =	stileid.u32  }
0x8f: {  	s1 =	rddreg [dreg:$0x1];
	p0 =	sne.s32 s2, $0x0  }
0x90: {  	s3 =	rddreg [dreg:$0x2];
	[bflag:$0x3] =	sbarrier.arrive $0xFFFF;
	s2 =	simm.s32 @!p0 $0x1C02  }
0x91: {  	[timem:s3], [sflag:s2] =	dma.local @!p0 [hbm:s0], s1  }
0x92: {  	s0 =	simm.s32 @!p0 $0x2  }
0x93: {  	_ =	swait.ge @!p0 [sflag:s0], s1  }
0x94: {  	s1 =	ssub.s32 @!p0 $0x0, s1;
	[sflag:s0] =	ssyncset.done @!p0 $0x0  }
0x95: {  	[sflag:s0] =	ssyncadd.s32 @!p0 s1  }
0x96: {  	[bflag:$0x3] =	sbarrier.arrive $0xFFFF  }
0x97: {  	_ =	shalt  }

</sc_bundles>
